<compile_context>
chip_gen: v7x
topology: tpu7x:2x2x1
jax: 0.10.2.dev20260603
libtpu: 0.0.44.dev20260713+nightly
codegen_flags: <defaults>
</compile_context>

<pallas_src>
import functools

import jax
import jax.numpy as jnp
from jax import lax
from jax.experimental import pallas as pl
from jax.experimental.pallas import tpu as pltpu
from jax.experimental.pallas import tpu_sc as plsc

N_NODES = 10000
N_EDGES = 320000
D = 128
BN_EPS = 1e-5

NC = 2
NS = 16
NW = NC * NS
EPW = N_EDGES // NW
CH = 80
CHUNKS = EPW // CH
NBUF = 3
FULL = (CHUNKS // NBUF) * NBUF
STRIPE = 624
TAIL_BASE = NS * STRIPE
TAIL = N_NODES - TAIL_BASE
ZROWS = NBUF * CH


def _sc_aggregate(g4, feats):
    mesh = plsc.VectorSubcoreMesh(
        core_axis_name="c", subcore_axis_name="s",
        num_cores=NC, num_subcores=NS)

    @functools.partial(
        pl.kernel,
        out_type=jax.ShapeDtypeStruct((NC * N_NODES, D), jnp.float32),
        mesh=mesh,
        scratch_types=[
            pltpu.VMEM((CHUNKS, CH), jnp.int32),
            pltpu.VMEM((CHUNKS, CH), jnp.int32),
            pltpu.VMEM((ZROWS, D), jnp.float32),
            pltpu.VMEM_SHARED((N_NODES, D), jnp.float32),
        ] + [pltpu.SemaphoreType.DMA] * NBUF,
        compiler_params=pltpu.CompilerParams(use_tc_tiling_on_sc=False),
    )
    def k(g_hbm, feats_hbm, out_hbm,
          src_v, dst_v, rows_v, agg_sh, *sems):
        c = lax.axis_index("c")
        s = lax.axis_index("s")
        w = c * NS + s

        def buf(p):
            return rows_v.at[pl.ds(p * CH, CH)]

        def fire_gather(j, p):
            pltpu.async_copy(
                feats_hbm.at[src_v.at[j]], buf(p), sems[p])

        def wait_dma(p):
            pltpu.make_async_copy(
                feats_hbm.at[pl.ds(0, CH)], buf(p), sems[p]).wait()

        def fire_scatter(j, p):
            pltpu.async_copy(
                buf(p), agg_sh.at[dst_v.at[j]], sems[p], add=True)

        pltpu.async_copy(g_hbm.at[0, w], src_v, sems[0])
        pltpu.async_copy(g_hbm.at[1, w], dst_v, sems[1])

        zv = jnp.zeros((16,), jnp.float32)

        def zrow(i, carry):
            for q in range(D // 16):
                rows_v[i, pl.ds(q * 16, 16)] = zv
            return carry

        lax.fori_loop(0, ZROWS, zrow, 0)
        base = s * STRIPE
        for r in range(STRIPE // ZROWS):
            pltpu.sync_copy(rows_v,
                            agg_sh.at[pl.ds(base + r * ZROWS, ZROWS)])
        rem = STRIPE % ZROWS
        pltpu.sync_copy(rows_v.at[pl.ds(0, rem)],
                        agg_sh.at[pl.ds(base + STRIPE - rem, rem)])

        @pl.when(s == 0)
        def _zero_tail():
            pltpu.sync_copy(rows_v.at[pl.ds(0, TAIL)],
                            agg_sh.at[pl.ds(TAIL_BASE, TAIL)])

        pltpu.make_async_copy(g_hbm.at[0, w], src_v, sems[0]).wait()
        pltpu.make_async_copy(g_hbm.at[1, w], dst_v, sems[1]).wait()
        plsc.subcore_barrier()

        fire_gather(0, 0)

        def outer(i, carry):
            for kk in range(NBUF):
                j = i * NBUF + kk
                pn = (kk + 1) % NBUF

                @pl.when(j >= NBUF - 1)
                def _drain():
                    wait_dma(pn)

                fire_gather(j + 1, pn)
                wait_dma(kk)
                fire_scatter(j, kk)
            return carry

        lax.fori_loop(0, FULL // NBUF - 1, outer, 0)
        for j in range(FULL - NBUF, CHUNKS):
            kk = j % NBUF
            pn = (kk + 1) % NBUF
            wait_dma(pn)
            if j + 1 < CHUNKS:
                fire_gather(j + 1, pn)
            wait_dma(kk)
            fire_scatter(j, kk)
        for kd in range(NBUF - 1):
            wait_dma((CHUNKS - 1 - kd) % NBUF)

        plsc.subcore_barrier()
        pltpu.sync_copy(
            agg_sh.at[pl.ds(s * STRIPE, STRIPE)],
            out_hbm.at[pl.ds(c * N_NODES + s * STRIPE, STRIPE)])

        @pl.when(s == 0)
        def _write_tail():
            pltpu.sync_copy(
                agg_sh.at[pl.ds(TAIL_BASE, TAIL)],
                out_hbm.at[pl.ds(c * N_NODES + TAIL_BASE, TAIL)])

    return k(g4, feats)


def _tc_tail(partials, W, b, gamma, beta):

    def body(p_ref, w_ref, b_ref, g_ref, bt_ref, o_ref):
        agg = p_ref[:N_NODES, :] + p_ref[N_NODES:, :]
        h = jnp.dot(agg, w_ref[...], preferred_element_type=jnp.float32)
        h = h + b_ref[...]
        mean = jnp.mean(h, axis=0, keepdims=True)
        ctr = h - mean
        var = jnp.mean(ctr * ctr, axis=0, keepdims=True)
        o_ref[...] = g_ref[...] * ctr * lax.rsqrt(var + BN_EPS) + bt_ref[...]

    return pl.pallas_call(
        body,
        out_shape=jax.ShapeDtypeStruct((N_NODES, D), jnp.float32),
    )(partials, W, b, gamma, beta)


def kernel(g, feats, W, b, gamma, beta):
    g4 = g.reshape(2, NW, CHUNKS, CH)
    partials = _sc_aggregate(g4, feats)
    return _tc_tail(partials, W, b.reshape(1, D),
                    gamma.reshape(1, D), beta.reshape(1, D))

# --- scband reference (transcript-rebuilt; emitter-appended) ---
"""Pipeline reference for scband-gcnlayer-4810363372760 (READ-ONLY COPY).

The authoritative reference and input builder live on the scoring server;
editing this copy changes nothing except your own understanding.
"""

import jax, jax.numpy as jnp
import numpy as np

N_NODES = 10000
N_EDGES = 320000
D_IN = 128
D_OUT = 128
BN_EPS = 1e-5


def setup_inputs(seed: int = 0) -> dict:
    key = jax.random.key(seed)
    k1, k2, k3, k4 = jax.random.split(key, 4)
    feats = jax.random.normal(k1, (N_NODES, D_IN), dtype=jnp.float32)
    g = jax.random.randint(k2, (2, N_EDGES), 0, N_NODES, dtype=jnp.int32)
    # GraphConv weight (glorot-style init) and bias
    W = jax.random.normal(k3, (D_IN, D_OUT), dtype=jnp.float32) * (1.0 / np.sqrt(D_IN))
    b = jnp.zeros((D_OUT,), dtype=jnp.float32)
    # BatchNorm1d affine params
    gamma = jnp.ones((D_OUT,), dtype=jnp.float32)
    beta = jnp.zeros((D_OUT,), dtype=jnp.float32)
    return {"g": g, "feats": feats, "W": W, "b": b, "gamma": gamma, "beta": beta}


def reference(g, feats, W, b, gamma, beta):
    # DGL GraphConv, norm='none', in_feats == out_feats so aggregate-then-matmul:
    # messages: copy source features along edges, sum at destination nodes
    src = g[0]
    dst = g[1]
    msgs = jnp.take(feats, src, axis=0)            # gather: [E, D_IN]
    agg = jax.ops.segment_sum(msgs, dst, num_segments=N_NODES)  # scatter-add: [N, D_IN]
    h = agg @ W + b                                 # linear projection
    # activation=None, residual=False, dropout=0.0 (identity)
    # BatchNorm1d in training mode (batch statistics, biased variance)
    mean = jnp.mean(h, axis=0)
    var = jnp.var(h, axis=0)
    out = gamma * (h - mean) / jnp.sqrt(var + BN_EPS) + beta
    return out

if __name__ == "__main__":
    import jax
    _d = setup_inputs()
    print(jax.jit(kernel)(*tuple(_d.values())))

</pallas_src>

<mosaic_0001>
#map = affine_map<(d0, d1) -> (0, 0, 0, 0)>
#map1 = affine_map<(d0, d1) -> (0, 0)>
module attributes {stable_mosaic.version = 14 : i64} {
  func.func @k(%arg0: i32, %arg1: i32, %arg2: memref<2x32x125x80xi32, #tpu.memory_space<hbm>>, %arg3: memref<10000x128xf32, #tpu.memory_space<hbm>>, %arg4: memref<20000x128xf32, #tpu.memory_space<hbm>>, %arg5: memref<125x80xi32, #tpu.memory_space<vmem>>, %arg6: memref<125x80xi32, #tpu.memory_space<vmem>>, %arg7: memref<240x128xf32, #tpu.memory_space<vmem>>, %arg8: memref<10000x128xf32, #tpu.memory_space<vmem_shared>>, %arg9: memref<!tpu.dma_semaphore, #tpu.memory_space<semaphore_mem>>, %arg10: memref<!tpu.dma_semaphore, #tpu.memory_space<semaphore_mem>>, %arg11: memref<!tpu.dma_semaphore, #tpu.memory_space<semaphore_mem>>) attributes {dimension_semantics = [#tpu.dimension_semantics<core_parallel>, #tpu.dimension_semantics<subcore_parallel>], iteration_bounds = array<i64: 2, 16>, scalar_prefetch = 0 : i64, scratch_operands = 7 : i64, tpu.core_type = #tpu.core_type<sc_vector_subcore>, window_params = [{transform_indices = #map}, {transform_indices = #map1}, {transform_indices = #map1}]} {
    %mul3A = arith.constant 16 : i32
    %mul3A_0 = arith.muli %arg0, %mul3A : i32
    %add3A = arith.addi %mul3A_0, %arg1 : i32
    %dma_start3A = arith.constant 0 : i32
    %dma_start3A_1 = arith.constant 0 : i32
    %dma_start3A_2 = arith.constant 0 : i32
    %dma_start3A_3 = tpu.memref_slice %arg2[%dma_start3A, %add3A, %dma_start3A_1, %dma_start3A_2] : memref<2x32x125x80xi32, #tpu.memory_space<hbm>> -> memref<1x1x125x80xi32, #tpu.memory_space<hbm>>
    %dma_start3A_4 = tpu.memref_squeeze %dma_start3A_3 : memref<1x1x125x80xi32, #tpu.memory_space<hbm>> -> memref<125x80xi32, #tpu.memory_space<hbm>>
    %dma_start3A_5 = arith.constant 0 : i32
    %dma_start3A_6 = arith.constant 0 : i32
    %dma_start3A_7 = tpu.memref_slice %arg2[%dma_start3A, %add3A, %dma_start3A_5, %dma_start3A_6] : memref<2x32x125x80xi32, #tpu.memory_space<hbm>> -> memref<1x1x125x80xi32, #tpu.memory_space<hbm>>
    %dma_start3A_8 = tpu.memref_squeeze %dma_start3A_7 : memref<1x1x125x80xi32, #tpu.memory_space<hbm>> -> memref<125x80xi32, #tpu.memory_space<hbm>>
    tpu.enqueue_dma source(%dma_start3A_8 : memref<125x80xi32, #tpu.memory_space<hbm>>) target(%arg5 : memref<125x80xi32, #tpu.memory_space<vmem>>) target_semaphore(%arg9 : memref<!tpu.dma_semaphore, #tpu.memory_space<semaphore_mem>>)
    %dma_start3A_9 = arith.constant 1 : i32
    %dma_start3A_10 = arith.constant 0 : i32
    %dma_start3A_11 = arith.constant 0 : i32
    %dma_start3A_12 = tpu.memref_slice %arg2[%dma_start3A_9, %add3A, %dma_start3A_10, %dma_start3A_11] : memref<2x32x125x80xi32, #tpu.memory_space<hbm>> -> memref<1x1x125x80xi32, #tpu.memory_space<hbm>>
    %dma_start3A_13 = tpu.memref_squeeze %dma_start3A_12 : memref<1x1x125x80xi32, #tpu.memory_space<hbm>> -> memref<125x80xi32, #tpu.memory_space<hbm>>
    %dma_start3A_14 = arith.constant 0 : i32
    %dma_start3A_15 = arith.constant 0 : i32
    %dma_start3A_16 = tpu.memref_slice %arg2[%dma_start3A_9, %add3A, %dma_start3A_14, %dma_start3A_15] : memref<2x32x125x80xi32, #tpu.memory_space<hbm>> -> memref<1x1x125x80xi32, #tpu.memory_space<hbm>>
    %dma_start3A_17 = tpu.memref_squeeze %dma_start3A_16 : memref<1x1x125x80xi32, #tpu.memory_space<hbm>> -> memref<125x80xi32, #tpu.memory_space<hbm>>
    tpu.enqueue_dma source(%dma_start3A_17 : memref<125x80xi32, #tpu.memory_space<hbm>>) target(%arg6 : memref<125x80xi32, #tpu.memory_space<vmem>>) target_semaphore(%arg10 : memref<!tpu.dma_semaphore, #tpu.memory_space<semaphore_mem>>)
    %broadcast_in_dim3A = arith.constant 0.000000e+00 : f32
    %broadcast_in_dim3A_18 = vector.broadcast %broadcast_in_dim3A : f32 to vector<16xf32>
    %scan3A = arith.constant 0 : i32
    %scan3A_19 = arith.constant 0 : i32
    %scan3A_20 = arith.constant 240 : i32
    %scan3A_21 = arith.addi %scan3A_19, %scan3A_20 : i32
    %scan3A_22 = arith.constant 1 : i32
    scf.for %scan3A_315 = %scan3A_19 to %scan3A_21 step %scan3A_22  : i32 {
      %swap3A = arith.index_cast %scan3A_315 : i32 to index
      %swap3A_316 = arith.constant 0 : index
      %swap3A_317 = tpu.vector_load %arg7[%swap3A, %swap3A_316] {strides = array<i32>} : memref<240x128xf32, #tpu.memory_space<vmem>>, vector<1x16xf32>,
      %swap3A_318 = vector.shape_cast %swap3A_317 : vector<1x16xf32> to vector<16xf32>
      %swap3A_319 = vector.shape_cast %broadcast_in_dim3A_18 : vector<16xf32> to vector<1x16xf32>
      tpu.vector_store %arg7[%swap3A, %swap3A_316], %swap3A_319 {strides = array<i32>} : memref<240x128xf32, #tpu.memory_space<vmem>>, vector<1x16xf32>,
      %swap3A_320 = arith.index_cast %scan3A_315 : i32 to index
      %swap3A_321 = arith.constant 16 : index
      %swap3A_322 = tpu.vector_load %arg7[%swap3A_320, %swap3A_321] {strides = array<i32>} : memref<240x128xf32, #tpu.memory_space<vmem>>, vector<1x16xf32>,
      %swap3A_323 = vector.shape_cast %swap3A_322 : vector<1x16xf32> to vector<16xf32>
      %swap3A_324 = vector.shape_cast %broadcast_in_dim3A_18 : vector<16xf32> to vector<1x16xf32>
      tpu.vector_store %arg7[%swap3A_320, %swap3A_321], %swap3A_324 {strides = array<i32>} : memref<240x128xf32, #tpu.memory_space<vmem>>, vector<1x16xf32>,
      %swap3A_325 = arith.index_cast %scan3A_315 : i32 to index
      %swap3A_326 = arith.constant 32 : index
      %swap3A_327 = tpu.vector_load %arg7[%swap3A_325, %swap3A_326] {strides = array<i32>} : memref<240x128xf32, #tpu.memory_space<vmem>>, vector<1x16xf32>,
      %swap3A_328 = vector.shape_cast %swap3A_327 : vector<1x16xf32> to vector<16xf32>
      %swap3A_329 = vector.shape_cast %broadcast_in_dim3A_18 : vector<16xf32> to vector<1x16xf32>
      tpu.vector_store %arg7[%swap3A_325, %swap3A_326], %swap3A_329 {strides = array<i32>} : memref<240x128xf32, #tpu.memory_space<vmem>>, vector<1x16xf32>,
      %swap3A_330 = arith.index_cast %scan3A_315 : i32 to index
      %swap3A_331 = arith.constant 48 : index
      %swap3A_332 = tpu.vector_load %arg7[%swap3A_330, %swap3A_331] {strides = array<i32>} : memref<240x128xf32, #tpu.memory_space<vmem>>, vector<1x16xf32>,
      %swap3A_333 = vector.shape_cast %swap3A_332 : vector<1x16xf32> to vector<16xf32>
      %swap3A_334 = vector.shape_cast %broadcast_in_dim3A_18 : vector<16xf32> to vector<1x16xf32>
      tpu.vector_store %arg7[%swap3A_330, %swap3A_331], %swap3A_334 {strides = array<i32>} : memref<240x128xf32, #tpu.memory_space<vmem>>, vector<1x16xf32>,
      %swap3A_335 = arith.index_cast %scan3A_315 : i32 to index
      %swap3A_336 = arith.constant 64 : index
      %swap3A_337 = tpu.vector_load %arg7[%swap3A_335, %swap3A_336] {strides = array<i32>} : memref<240x128xf32, #tpu.memory_space<vmem>>, vector<1x16xf32>,
      %swap3A_338 = vector.shape_cast %swap3A_337 : vector<1x16xf32> to vector<16xf32>
      %swap3A_339 = vector.shape_cast %broadcast_in_dim3A_18 : vector<16xf32> to vector<1x16xf32>
      tpu.vector_store %arg7[%swap3A_335, %swap3A_336], %swap3A_339 {strides = array<i32>} : memref<240x128xf32, #tpu.memory_space<vmem>>, vector<1x16xf32>,
      %swap3A_340 = arith.index_cast %scan3A_315 : i32 to index
      %swap3A_341 = arith.constant 80 : index
      %swap3A_342 = tpu.vector_load %arg7[%swap3A_340, %swap3A_341] {strides = array<i32>} : memref<240x128xf32, #tpu.memory_space<vmem>>, vector<1x16xf32>,
      %swap3A_343 = vector.shape_cast %swap3A_342 : vector<1x16xf32> to vector<16xf32>
      %swap3A_344 = vector.shape_cast %broadcast_in_dim3A_18 : vector<16xf32> to vector<1x16xf32>
      tpu.vector_store %arg7[%swap3A_340, %swap3A_341], %swap3A_344 {strides = array<i32>} : memref<240x128xf32, #tpu.memory_space<vmem>>, vector<1x16xf32>,
      %swap3A_345 = arith.index_cast %scan3A_315 : i32 to index
      %swap3A_346 = arith.constant 96 : index
      %swap3A_347 = tpu.vector_load %arg7[%swap3A_345, %swap3A_346] {strides = array<i32>} : memref<240x128xf32, #tpu.memory_space<vmem>>, vector<1x16xf32>,
      %swap3A_348 = vector.shape_cast %swap3A_347 : vector<1x16xf32> to vector<16xf32>
      %swap3A_349 = vector.shape_cast %broadcast_in_dim3A_18 : vector<16xf32> to vector<1x16xf32>
      tpu.vector_store %arg7[%swap3A_345, %swap3A_346], %swap3A_349 {strides = array<i32>} : memref<240x128xf32, #tpu.memory_space<vmem>>, vector<1x16xf32>,
      %swap3A_350 = arith.index_cast %scan3A_315 : i32 to index
      %swap3A_351 = arith.constant 112 : index
      %swap3A_352 = tpu.vector_load %arg7[%swap3A_350, %swap3A_351] {strides = array<i32>} : memref<240x128xf32, #tpu.memory_space<vmem>>, vector<1x16xf32>,
      %swap3A_353 = vector.shape_cast %swap3A_352 : vector<1x16xf32> to vector<16xf32>
      %swap3A_354 = vector.shape_cast %broadcast_in_dim3A_18 : vector<16xf32> to vector<1x16xf32>
      tpu.vector_store %arg7[%swap3A_350, %swap3A_351], %swap3A_354 {strides = array<i32>} : memref<240x128xf32, #tpu.memory_space<vmem>>, vector<1x16xf32>,
    }
    %scan3A_23 = arith.constant 240 : i32
    %mul3A_24 = arith.constant 624 : i32
    %mul3A_25 = arith.muli %arg1, %mul3A_24 : i32
    %add3A_26 = arith.constant 0 : i32
    %add3A_27 = arith.addi %mul3A_25, %add3A_26 : i32
    "tpu.region"() ({
      %run_scoped3A = tpu.sem_alloc : memref<!tpu.dma_semaphore, #tpu.memory_space<semaphore_mem>>
      %dma_start3A_315 = arith.constant 0 : i32
      %dma_start3A_316 = tpu.memref_slice %arg8[%add3A_27, %dma_start3A_315] : memref<10000x128xf32, #tpu.memory_space<vmem_shared>> -> memref<240x128xf32, #tpu.memory_space<vmem_shared>>
      %dma_start3A_317 = arith.constant 0 : i32
      %dma_start3A_318 = tpu.memref_slice %arg8[%add3A_27, %dma_start3A_317] : memref<10000x128xf32, #tpu.memory_space<vmem_shared>> -> memref<240x128xf32, #tpu.memory_space<vmem_shared>>
      tpu.enqueue_dma source(%arg7 : memref<240x128xf32, #tpu.memory_space<vmem>>) target(%dma_start3A_318 : memref<240x128xf32, #tpu.memory_space<vmem_shared>>) target_semaphore(%run_scoped3A : memref<!tpu.dma_semaphore, #tpu.memory_space<semaphore_mem>>)
      %dma_wait3A_319 = arith.constant 0 : i32
      %dma_wait3A_320 = tpu.memref_slice %arg8[%add3A_27, %dma_wait3A_319] : memref<10000x128xf32, #tpu.memory_space<vmem_shared>> -> memref<240x128xf32, #tpu.memory_space<vmem_shared>>
      %dma_wait3A_321 = arith.constant 0 : i32
      %dma_wait3A_322 = tpu.memref_slice %arg8[%add3A_27, %dma_wait3A_321] : memref<10000x128xf32, #tpu.memory_space<vmem_shared>> -> memref<240x128xf32, #tpu.memory_space<vmem_shared>>
      tpu.wait_dma2 semaphore(%run_scoped3A : memref<!tpu.dma_semaphore, #tpu.memory_space<semaphore_mem>>) src(%arg7 : memref<240x128xf32, #tpu.memory_space<vmem>>) dst(%dma_wait3A_322 : memref<240x128xf32, #tpu.memory_space<vmem_shared>>)
      tpu.yield
    }) : () -> ()
    %add3A_28 = arith.constant 240 : i32
    %add3A_29 = arith.addi %mul3A_25, %add3A_28 : i32
    "tpu.region"() ({
      %run_scoped3A = tpu.sem_alloc : memref<!tpu.dma_semaphore, #tpu.memory_space<semaphore_mem>>
      %dma_start3A_315 = arith.constant 0 : i32
      %dma_start3A_316 = tpu.memref_slice %arg8[%add3A_29, %dma_start3A_315] : memref<10000x128xf32, #tpu.memory_space<vmem_shared>> -> memref<240x128xf32, #tpu.memory_space<vmem_shared>>
      %dma_start3A_317 = arith.constant 0 : i32
      %dma_start3A_318 = tpu.memref_slice %arg8[%add3A_29, %dma_start3A_317] : memref<10000x128xf32, #tpu.memory_space<vmem_shared>> -> memref<240x128xf32, #tpu.memory_space<vmem_shared>>
      tpu.enqueue_dma source(%arg7 : memref<240x128xf32, #tpu.memory_space<vmem>>) target(%dma_start3A_318 : memref<240x128xf32, #tpu.memory_space<vmem_shared>>) target_semaphore(%run_scoped3A : memref<!tpu.dma_semaphore, #tpu.memory_space<semaphore_mem>>)
      %dma_wait3A_319 = arith.constant 0 : i32
      %dma_wait3A_320 = tpu.memref_slice %arg8[%add3A_29, %dma_wait3A_319] : memref<10000x128xf32, #tpu.memory_space<vmem_shared>> -> memref<240x128xf32, #tpu.memory_space<vmem_shared>>
      %dma_wait3A_321 = arith.constant 0 : i32
      %dma_wait3A_322 = tpu.memref_slice %arg8[%add3A_29, %dma_wait3A_321] : memref<10000x128xf32, #tpu.memory_space<vmem_shared>> -> memref<240x128xf32, #tpu.memory_space<vmem_shared>>
      tpu.wait_dma2 semaphore(%run_scoped3A : memref<!tpu.dma_semaphore, #tpu.memory_space<semaphore_mem>>) src(%arg7 : memref<240x128xf32, #tpu.memory_space<vmem>>) dst(%dma_wait3A_322 : memref<240x128xf32, #tpu.memory_space<vmem_shared>>)
      tpu.yield
    }) : () -> ()
    %add3A_30 = arith.constant 624 : i32
    %add3A_31 = arith.addi %mul3A_25, %add3A_30 : i32
    %sub3A = arith.constant 144 : i32
    %sub3A_32 = arith.subi %add3A_31, %sub3A : i32
    "tpu.region"() ({
      %run_scoped3A = tpu.sem_alloc : memref<!tpu.dma_semaphore, #tpu.memory_space<semaphore_mem>>
      %dma_start3A_315 = arith.constant 0 : i32
      %dma_start3A_316 = arith.constant 0 : i32
      %dma_start3A_317 = tpu.memref_slice %arg7[%dma_start3A_315, %dma_start3A_316] : memref<240x128xf32, #tpu.memory_space<vmem>> -> memref<144x128xf32, #tpu.memory_space<vmem>>
      %dma_start3A_318 = arith.constant 0 : i32
      %dma_start3A_319 = tpu.memref_slice %arg8[%sub3A_32, %dma_start3A_318] : memref<10000x128xf32, #tpu.memory_space<vmem_shared>> -> memref<144x128xf32, #tpu.memory_space<vmem_shared>>
      %dma_start3A_320 = arith.constant 0 : i32
      %dma_start3A_321 = tpu.memref_slice %arg8[%sub3A_32, %dma_start3A_320] : memref<10000x128xf32, #tpu.memory_space<vmem_shared>> -> memref<144x128xf32, #tpu.memory_space<vmem_shared>>
      %dma_start3A_322 = arith.constant 0 : i32
      %dma_start3A_323 = arith.constant 0 : i32
      %dma_start3A_324 = tpu.memref_slice %arg7[%dma_start3A_322, %dma_start3A_323] : memref<240x128xf32, #tpu.memory_space<vmem>> -> memref<144x128xf32, #tpu.memory_space<vmem>>
      tpu.enqueue_dma source(%dma_start3A_324 : memref<144x128xf32, #tpu.memory_space<vmem>>) target(%dma_start3A_321 : memref<144x128xf32, #tpu.memory_space<vmem_shared>>) target_semaphore(%run_scoped3A : memref<!tpu.dma_semaphore, #tpu.memory_space<semaphore_mem>>)
      %dma_wait3A_325 = arith.constant 0 : i32
      %dma_wait3A_326 = arith.constant 0 : i32
      %dma_wait3A_327 = tpu.memref_slice %arg7[%dma_wait3A_325, %dma_wait3A_326] : memref<240x128xf32, #tpu.memory_space<vmem>> -> memref<144x128xf32, #tpu.memory_space<vmem>>
      %dma_wait3A_328 = arith.constant 0 : i32
      %dma_wait3A_329 = tpu.memref_slice %arg8[%sub3A_32, %dma_wait3A_328] : memref<10000x128xf32, #tpu.memory_space<vmem_shared>> -> memref<144x128xf32, #tpu.memory_space<vmem_shared>>
      %dma_wait3A_330 = arith.constant 0 : i32
      %dma_wait3A_331 = tpu.memref_slice %arg8[%sub3A_32, %dma_wait3A_330] : memref<10000x128xf32, #tpu.memory_space<vmem_shared>> -> memref<144x128xf32, #tpu.memory_space<vmem_shared>>
      %dma_wait3A_332 = arith.constant 0 : i32
      %dma_wait3A_333 = arith.constant 0 : i32
      %dma_wait3A_334 = tpu.memref_slice %arg7[%dma_wait3A_332, %dma_wait3A_333] : memref<240x128xf32, #tpu.memory_space<vmem>> -> memref<144x128xf32, #tpu.memory_space<vmem>>
      tpu.wait_dma2 semaphore(%run_scoped3A : memref<!tpu.dma_semaphore, #tpu.memory_space<semaphore_mem>>) src(%dma_wait3A_334 : memref<144x128xf32, #tpu.memory_space<vmem>>) dst(%dma_wait3A_331 : memref<144x128xf32, #tpu.memory_space<vmem_shared>>)
      tpu.yield
    }) : () -> ()
    %eq3A = arith.constant 0 : i32
    %eq3A_33 = arith.cmpi eq, %arg1, %eq3A : i32
    %convert_element_type3A = arith.extui %eq3A_33 : i1 to i32
    %cond3A = arith.constant 0 : i32
    %cond3A_34 = arith.cmpi ne, %convert_element_type3A, %cond3A : i32
    scf.if %cond3A_34 {
      "tpu.region"() ({
        %run_scoped3A = tpu.sem_alloc : memref<!tpu.dma_semaphore, #tpu.memory_space<semaphore_mem>>
        %dma_start3A_315 = arith.constant 0 : i32
        %dma_start3A_316 = arith.constant 0 : i32
        %dma_start3A_317 = tpu.memref_slice %arg7[%dma_start3A_315, %dma_start3A_316] : memref<240x128xf32, #tpu.memory_space<vmem>> -> memref<16x128xf32, #tpu.memory_space<vmem>>
        %dma_start3A_318 = arith.constant 9984 : i32
        %dma_start3A_319 = arith.constant 0 : i32
        %dma_start3A_320 = tpu.memref_slice %arg8[%dma_start3A_318, %dma_start3A_319] : memref<10000x128xf32, #tpu.memory_space<vmem_shared>> -> memref<16x128xf32, #tpu.memory_space<vmem_shared>>
        %dma_start3A_321 = arith.constant 9984 : i32
        %dma_start3A_322 = arith.constant 0 : i32
        %dma_start3A_323 = tpu.memref_slice %arg8[%dma_start3A_321, %dma_start3A_322] : memref<10000x128xf32, #tpu.memory_space<vmem_shared>> -> memref<16x128xf32, #tpu.memory_space<vmem_shared>>
        %dma_start3A_324 = arith.constant 0 : i32
        %dma_start3A_325 = arith.constant 0 : i32
        %dma_start3A_326 = tpu.memref_slice %arg7[%dma_start3A_324, %dma_start3A_325] : memref<240x128xf32, #tpu.memory_space<vmem>> -> memref<16x128xf32, #tpu.memory_space<vmem>>
        tpu.enqueue_dma source(%dma_start3A_326 : memref<16x128xf32, #tpu.memory_space<vmem>>) target(%dma_start3A_323 : memref<16x128xf32, #tpu.memory_space<vmem_shared>>) target_semaphore(%run_scoped3A : memref<!tpu.dma_semaphore, #tpu.memory_space<semaphore_mem>>)
        %dma_wait3A_327 = arith.constant 0 : i32
        %dma_wait3A_328 = arith.constant 0 : i32
        %dma_wait3A_329 = tpu.memref_slice %arg7[%dma_wait3A_327, %dma_wait3A_328] : memref<240x128xf32, #tpu.memory_space<vmem>> -> memref<16x128xf32, #tpu.memory_space<vmem>>
        %dma_wait3A_330 = arith.constant 9984 : i32
        %dma_wait3A_331 = arith.constant 0 : i32
        %dma_wait3A_332 = tpu.memref_slice %arg8[%dma_wait3A_330, %dma_wait3A_331] : memref<10000x128xf32, #tpu.memory_space<vmem_shared>> -> memref<16x128xf32, #tpu.memory_space<vmem_shared>>
        %dma_wait3A_333 = arith.constant 9984 : i32
        %dma_wait3A_334 = arith.constant 0 : i32
        %dma_wait3A_335 = tpu.memref_slice %arg8[%dma_wait3A_333, %dma_wait3A_334] : memref<10000x128xf32, #tpu.memory_space<vmem_shared>> -> memref<16x128xf32, #tpu.memory_space<vmem_shared>>
        %dma_wait3A_336 = arith.constant 0 : i32
        %dma_wait3A_337 = arith.constant 0 : i32
        %dma_wait3A_338 = tpu.memref_slice %arg7[%dma_wait3A_336, %dma_wait3A_337] : memref<240x128xf32, #tpu.memory_space<vmem>> -> memref<16x128xf32, #tpu.memory_space<vmem>>
        tpu.wait_dma2 semaphore(%run_scoped3A : memref<!tpu.dma_semaphore, #tpu.memory_space<semaphore_mem>>) src(%dma_wait3A_338 : memref<16x128xf32, #tpu.memory_space<vmem>>) dst(%dma_wait3A_335 : memref<16x128xf32, #tpu.memory_space<vmem_shared>>)
        tpu.yield
      }) : () -> ()
    } else {
    }
    %dma_wait3A = arith.constant 0 : i32
    %dma_wait3A_35 = arith.constant 0 : i32
    %dma_wait3A_36 = arith.constant 0 : i32
    %dma_wait3A_37 = tpu.memref_slice %arg2[%dma_wait3A, %add3A, %dma_wait3A_35, %dma_wait3A_36] : memref<2x32x125x80xi32, #tpu.memory_space<hbm>> -> memref<1x1x125x80xi32, #tpu.memory_space<hbm>>
    %dma_wait3A_38 = tpu.memref_squeeze %dma_wait3A_37 : memref<1x1x125x80xi32, #tpu.memory_space<hbm>> -> memref<125x80xi32, #tpu.memory_space<hbm>>
    %dma_wait3A_39 = arith.constant 0 : i32
    %dma_wait3A_40 = arith.constant 0 : i32
    %dma_wait3A_41 = tpu.memref_slice %arg2[%dma_wait3A, %add3A, %dma_wait3A_39, %dma_wait3A_40] : memref<2x32x125x80xi32, #tpu.memory_space<hbm>> -> memref<1x1x125x80xi32, #tpu.memory_space<hbm>>
    %dma_wait3A_42 = tpu.memref_squeeze %dma_wait3A_41 : memref<1x1x125x80xi32, #tpu.memory_space<hbm>> -> memref<125x80xi32, #tpu.memory_space<hbm>>
    tpu.wait_dma2 semaphore(%arg9 : memref<!tpu.dma_semaphore, #tpu.memory_space<semaphore_mem>>) src(%dma_wait3A_42 : memref<125x80xi32, #tpu.memory_space<hbm>>) dst(%arg5 : memref<125x80xi32, #tpu.memory_space<vmem>>)
    %dma_wait3A_43 = arith.constant 1 : i32
    %dma_wait3A_44 = arith.constant 0 : i32
    %dma_wait3A_45 = arith.constant 0 : i32
    %dma_wait3A_46 = tpu.memref_slice %arg2[%dma_wait3A_43, %add3A, %dma_wait3A_44, %dma_wait3A_45] : memref<2x32x125x80xi32, #tpu.memory_space<hbm>> -> memref<1x1x125x80xi32, #tpu.memory_space<hbm>>
    %dma_wait3A_47 = tpu.memref_squeeze %dma_wait3A_46 : memref<1x1x125x80xi32, #tpu.memory_space<hbm>> -> memref<125x80xi32, #tpu.memory_space<hbm>>
    %dma_wait3A_48 = arith.constant 0 : i32
    %dma_wait3A_49 = arith.constant 0 : i32
    %dma_wait3A_50 = tpu.memref_slice %arg2[%dma_wait3A_43, %add3A, %dma_wait3A_48, %dma_wait3A_49] : memref<2x32x125x80xi32, #tpu.memory_space<hbm>> -> memref<1x1x125x80xi32, #tpu.memory_space<hbm>>
    %dma_wait3A_51 = tpu.memref_squeeze %dma_wait3A_50 : memref<1x1x125x80xi32, #tpu.memory_space<hbm>> -> memref<125x80xi32, #tpu.memory_space<hbm>>
    tpu.wait_dma2 semaphore(%arg10 : memref<!tpu.dma_semaphore, #tpu.memory_space<semaphore_mem>>) src(%dma_wait3A_51 : memref<125x80xi32, #tpu.memory_space<hbm>>) dst(%arg6 : memref<125x80xi32, #tpu.memory_space<vmem>>)
    %barrier3A = arith.constant 0 : index
    tpu.barrier barrier_id(%barrier3A)
    %dma_start3A_52 = arith.constant 0 : i32
    %dma_start3A_53 = arith.constant 0 : i32
    %dma_start3A_54 = arith.constant 0 : i32
    %dma_start3A_55 = tpu.memref_slice %arg7[%dma_start3A_53, %dma_start3A_54] : memref<240x128xf32, #tpu.memory_space<vmem>> -> memref<80x128xf32, #tpu.memory_space<vmem>>
    %dma_start3A_56 = arith.constant 0 : i32
    %dma_start3A_57 = tpu.memref_slice %arg5[%dma_start3A_52, %dma_start3A_56] : memref<125x80xi32, #tpu.memory_space<vmem>> -> memref<1x80xi32, #tpu.memory_space<vmem>>
    %dma_start3A_58 = tpu.memref_squeeze %dma_start3A_57 : memref<1x80xi32, #tpu.memory_space<vmem>> -> memref<80xi32, #tpu.memory_space<vmem>>
    %dma_start3A_59 = arith.constant 0 : i32
    %dma_start3A_60 = arith.constant 0 : i32
    %dma_start3A_61 = tpu.memref_slice %arg3[%dma_start3A_59, %dma_start3A_60] : memref<10000x128xf32, #tpu.memory_space<hbm>> -> memref<10000x128xf32, #tpu.memory_space<hbm>>
    tpu.enqueue_indirect_dma source(%dma_start3A_61 : memref<10000x128xf32, #tpu.memory_space<hbm>>) target(%dma_start3A_55 : memref<80x128xf32, #tpu.memory_space<vmem>>) offsets(%dma_start3A_58 : memref<80xi32, #tpu.memory_space<vmem>>) semaphore(%arg9 : memref<!tpu.dma_semaphore, #tpu.memory_space<semaphore_mem>>)
    %scan3A_62 = arith.constant 0 : i32
    %scan3A_63 = arith.constant 0 : i32
    %scan3A_64 = arith.constant 40 : i32
    %scan3A_65 = arith.addi %scan3A_63, %scan3A_64 : i32
    %scan3A_66 = arith.constant 1 : i32
    scf.for %scan3A_315 = %scan3A_63 to %scan3A_65 step %scan3A_66  : i32 {
      %mul3A_316 = arith.constant 3 : i32
      %mul3A_317 = arith.muli %scan3A_315, %mul3A_316 : i32
      %add3A_318 = arith.constant 0 : i32
      %add3A_319 = arith.addi %mul3A_317, %add3A_318 : i32
      %ge3A = arith.constant 2 : i32
      %ge3A_320 = arith.cmpi sge, %add3A_319, %ge3A : i32
      %convert_element_type3A_321 = arith.extui %ge3A_320 : i1 to i32
      %cond3A_322 = arith.constant 0 : i32
      %cond3A_323 = arith.cmpi ne, %convert_element_type3A_321, %cond3A_322 : i32
      scf.if %cond3A_323 {
        %dma_wait3A_438 = arith.constant 80 : i32
        %dma_wait3A_439 = arith.constant 0 : i32
        %dma_wait3A_440 = tpu.memref_slice %arg7[%dma_wait3A_438, %dma_wait3A_439] : memref<240x128xf32, #tpu.memory_space<vmem>> -> memref<80x128xf32, #tpu.memory_space<vmem>>
        %dma_wait3A_441 = arith.constant 0 : i32
        %dma_wait3A_442 = arith.constant 0 : i32
        %dma_wait3A_443 = tpu.memref_slice %arg3[%dma_wait3A_441, %dma_wait3A_442] : memref<10000x128xf32, #tpu.memory_space<hbm>> -> memref<80x128xf32, #tpu.memory_space<hbm>>
        %dma_wait3A_444 = arith.constant 80 : i32
        %dma_wait3A_445 = arith.constant 0 : i32
        %dma_wait3A_446 = tpu.memref_slice %arg7[%dma_wait3A_444, %dma_wait3A_445] : memref<240x128xf32, #tpu.memory_space<vmem>> -> memref<80x128xf32, #tpu.memory_space<vmem>>
        %dma_wait3A_447 = arith.constant 0 : i32
        %dma_wait3A_448 = arith.constant 0 : i32
        %dma_wait3A_449 = tpu.memref_slice %arg3[%dma_wait3A_447, %dma_wait3A_448] : memref<10000x128xf32, #tpu.memory_space<hbm>> -> memref<80x128xf32, #tpu.memory_space<hbm>>
        tpu.wait_dma2 semaphore(%arg10 : memref<!tpu.dma_semaphore, #tpu.memory_space<semaphore_mem>>) src(%dma_wait3A_449 : memref<80x128xf32, #tpu.memory_space<hbm>>) dst(%dma_wait3A_446 : memref<80x128xf32, #tpu.memory_space<vmem>>)
      } else {
      }
      %add3A_324 = arith.constant 1 : i32
      %add3A_325 = arith.addi %add3A_319, %add3A_324 : i32
      %dma_start3A_326 = arith.constant 80 : i32
      %dma_start3A_327 = arith.constant 0 : i32
      %dma_start3A_328 = tpu.memref_slice %arg7[%dma_start3A_326, %dma_start3A_327] : memref<240x128xf32, #tpu.memory_space<vmem>> -> memref<80x128xf32, #tpu.memory_space<vmem>>
      %dma_start3A_329 = arith.constant 0 : i32
      %dma_start3A_330 = tpu.memref_slice %arg5[%add3A_325, %dma_start3A_329] : memref<125x80xi32, #tpu.memory_space<vmem>> -> memref<1x80xi32, #tpu.memory_space<vmem>>
      %dma_start3A_331 = tpu.memref_squeeze %dma_start3A_330 : memref<1x80xi32, #tpu.memory_space<vmem>> -> memref<80xi32, #tpu.memory_space<vmem>>
      %dma_start3A_332 = arith.constant 0 : i32
      %dma_start3A_333 = arith.constant 0 : i32
      %dma_start3A_334 = tpu.memref_slice %arg3[%dma_start3A_332, %dma_start3A_333] : memref<10000x128xf32, #tpu.memory_space<hbm>> -> memref<10000x128xf32, #tpu.memory_space<hbm>>
      tpu.enqueue_indirect_dma source(%dma_start3A_334 : memref<10000x128xf32, #tpu.memory_space<hbm>>) target(%dma_start3A_328 : memref<80x128xf32, #tpu.memory_space<vmem>>) offsets(%dma_start3A_331 : memref<80xi32, #tpu.memory_space<vmem>>) semaphore(%arg10 : memref<!tpu.dma_semaphore, #tpu.memory_space<semaphore_mem>>)
      %dma_wait3A_335 = arith.constant 0 : i32
      %dma_wait3A_336 = arith.constant 0 : i32
      %dma_wait3A_337 = tpu.memref_slice %arg7[%dma_wait3A_335, %dma_wait3A_336] : memref<240x128xf32, #tpu.memory_space<vmem>> -> memref<80x128xf32, #tpu.memory_space<vmem>>
      %dma_wait3A_338 = arith.constant 0 : i32
      %dma_wait3A_339 = arith.constant 0 : i32
      %dma_wait3A_340 = tpu.memref_slice %arg3[%dma_wait3A_338, %dma_wait3A_339] : memref<10000x128xf32, #tpu.memory_space<hbm>> -> memref<80x128xf32, #tpu.memory_space<hbm>>
      %dma_wait3A_341 = arith.constant 0 : i32
      %dma_wait3A_342 = arith.constant 0 : i32
      %dma_wait3A_343 = tpu.memref_slice %arg7[%dma_wait3A_341, %dma_wait3A_342] : memref<240x128xf32, #tpu.memory_space<vmem>> -> memref<80x128xf32, #tpu.memory_space<vmem>>
      %dma_wait3A_344 = arith.constant 0 : i32
      %dma_wait3A_345 = arith.constant 0 : i32
      %dma_wait3A_346 = tpu.memref_slice %arg3[%dma_wait3A_344, %dma_wait3A_345] : memref<10000x128xf32, #tpu.memory_space<hbm>> -> memref<80x128xf32, #tpu.memory_space<hbm>>
      tpu.wait_dma2 semaphore(%arg9 : memref<!tpu.dma_semaphore, #tpu.memory_space<semaphore_mem>>) src(%dma_wait3A_346 : memref<80x128xf32, #tpu.memory_space<hbm>>) dst(%dma_wait3A_343 : memref<80x128xf32, #tpu.memory_space<vmem>>)
      %dma_start3A_347 = arith.constant 0 : i32
      %dma_start3A_348 = arith.constant 0 : i32
      %dma_start3A_349 = tpu.memref_slice %arg7[%dma_start3A_347, %dma_start3A_348] : memref<240x128xf32, #tpu.memory_space<vmem>> -> memref<80x128xf32, #tpu.memory_space<vmem>>
      %dma_start3A_350 = arith.constant 0 : i32
      %dma_start3A_351 = tpu.memref_slice %arg6[%add3A_319, %dma_start3A_350] : memref<125x80xi32, #tpu.memory_space<vmem>> -> memref<1x80xi32, #tpu.memory_space<vmem>>
      %dma_start3A_352 = tpu.memref_squeeze %dma_start3A_351 : memref<1x80xi32, #tpu.memory_space<vmem>> -> memref<80xi32, #tpu.memory_space<vmem>>
      %dma_start3A_353 = arith.constant 0 : i32
      %dma_start3A_354 = arith.constant 0 : i32
      %dma_start3A_355 = tpu.memref_slice %arg8[%dma_start3A_353, %dma_start3A_354] : memref<10000x128xf32, #tpu.memory_space<vmem_shared>> -> memref<10000x128xf32, #tpu.memory_space<vmem_shared>>
      tpu.enqueue_indirect_dma source(%dma_start3A_349 : memref<80x128xf32, #tpu.memory_space<vmem>>) target(%dma_start3A_355 : memref<10000x128xf32, #tpu.memory_space<vmem_shared>>) offsets(%dma_start3A_352 : memref<80xi32, #tpu.memory_space<vmem>>) semaphore(%arg9 : memref<!tpu.dma_semaphore, #tpu.memory_space<semaphore_mem>>) {add = true}
      %mul3A_356 = arith.constant 3 : i32
      %mul3A_357 = arith.muli %scan3A_315, %mul3A_356 : i32
      %add3A_358 = arith.constant 1 : i32
      %add3A_359 = arith.addi %mul3A_357, %add3A_358 : i32
      %ge3A_360 = arith.constant 2 : i32
      %ge3A_361 = arith.cmpi sge, %add3A_359, %ge3A_360 : i32
      %convert_element_type3A_362 = arith.extui %ge3A_361 : i1 to i32
      %cond3A_363 = arith.constant 0 : i32
      %cond3A_364 = arith.cmpi ne, %convert_element_type3A_362, %cond3A_363 : i32
      scf.if %cond3A_364 {
        %dma_wait3A_438 = arith.constant 160 : i32
        %dma_wait3A_439 = arith.constant 0 : i32
        %dma_wait3A_440 = tpu.memref_slice %arg7[%dma_wait3A_438, %dma_wait3A_439] : memref<240x128xf32, #tpu.memory_space<vmem>> -> memref<80x128xf32, #tpu.memory_space<vmem>>
        %dma_wait3A_441 = arith.constant 0 : i32
        %dma_wait3A_442 = arith.constant 0 : i32
        %dma_wait3A_443 = tpu.memref_slice %arg3[%dma_wait3A_441, %dma_wait3A_442] : memref<10000x128xf32, #tpu.memory_space<hbm>> -> memref<80x128xf32, #tpu.memory_space<hbm>>
        %dma_wait3A_444 = arith.constant 160 : i32
        %dma_wait3A_445 = arith.constant 0 : i32
        %dma_wait3A_446 = tpu.memref_slice %arg7[%dma_wait3A_444, %dma_wait3A_445] : memref<240x128xf32, #tpu.memory_space<vmem>> -> memref<80x128xf32, #tpu.memory_space<vmem>>
        %dma_wait3A_447 = arith.constant 0 : i32
        %dma_wait3A_448 = arith.constant 0 : i32
        %dma_wait3A_449 = tpu.memref_slice %arg3[%dma_wait3A_447, %dma_wait3A_448] : memref<10000x128xf32, #tpu.memory_space<hbm>> -> memref<80x128xf32, #tpu.memory_space<hbm>>
        tpu.wait_dma2 semaphore(%arg11 : memref<!tpu.dma_semaphore, #tpu.memory_space<semaphore_mem>>) src(%dma_wait3A_449 : memref<80x128xf32, #tpu.memory_space<hbm>>) dst(%dma_wait3A_446 : memref<80x128xf32, #tpu.memory_space<vmem>>)
      } else {
      }
      %add3A_365 = arith.constant 1 : i32
      %add3A_366 = arith.addi %add3A_359, %add3A_365 : i32
      %dma_start3A_367 = arith.constant 160 : i32
      %dma_start3A_368 = arith.constant 0 : i32
      %dma_start3A_369 = tpu.memref_slice %arg7[%dma_start3A_367, %dma_start3A_368] : memref<240x128xf32, #tpu.memory_space<vmem>> -> memref<80x128xf32, #tpu.memory_space<vmem>>
      %dma_start3A_370 = arith.constant 0 : i32
      %dma_start3A_371 = tpu.memref_slice %arg5[%add3A_366, %dma_start3A_370] : memref<125x80xi32, #tpu.memory_space<vmem>> -> memref<1x80xi32, #tpu.memory_space<vmem>>
      %dma_start3A_372 = tpu.memref_squeeze %dma_start3A_371 : memref<1x80xi32, #tpu.memory_space<vmem>> -> memref<80xi32, #tpu.memory_space<vmem>>
      %dma_start3A_373 = arith.constant 0 : i32
      %dma_start3A_374 = arith.constant 0 : i32
      %dma_start3A_375 = tpu.memref_slice %arg3[%dma_start3A_373, %dma_start3A_374] : memref<10000x128xf32, #tpu.memory_space<hbm>> -> memref<10000x128xf32, #tpu.memory_space<hbm>>
      tpu.enqueue_indirect_dma source(%dma_start3A_375 : memref<10000x128xf32, #tpu.memory_space<hbm>>) target(%dma_start3A_369 : memref<80x128xf32, #tpu.memory_space<vmem>>) offsets(%dma_start3A_372 : memref<80xi32, #tpu.memory_space<vmem>>) semaphore(%arg11 : memref<!tpu.dma_semaphore, #tpu.memory_space<semaphore_mem>>)
      %dma_wait3A_376 = arith.constant 80 : i32
      %dma_wait3A_377 = arith.constant 0 : i32
      %dma_wait3A_378 = tpu.memref_slice %arg7[%dma_wait3A_376, %dma_wait3A_377] : memref<240x128xf32, #tpu.memory_space<vmem>> -> memref<80x128xf32, #tpu.memory_space<vmem>>
      %dma_wait3A_379 = arith.constant 0 : i32
      %dma_wait3A_380 = arith.constant 0 : i32
      %dma_wait3A_381 = tpu.memref_slice %arg3[%dma_wait3A_379, %dma_wait3A_380] : memref<10000x128xf32, #tpu.memory_space<hbm>> -> memref<80x128xf32, #tpu.memory_space<hbm>>
      %dma_wait3A_382 = arith.constant 80 : i32
      %dma_wait3A_383 = arith.constant 0 : i32
      %dma_wait3A_384 = tpu.memref_slice %arg7[%dma_wait3A_382, %dma_wait3A_383] : memref<240x128xf32, #tpu.memory_space<vmem>> -> memref<80x128xf32, #tpu.memory_space<vmem>>
      %dma_wait3A_385 = arith.constant 0 : i32
      %dma_wait3A_386 = arith.constant 0 : i32
      %dma_wait3A_387 = tpu.memref_slice %arg3[%dma_wait3A_385, %dma_wait3A_386] : memref<10000x128xf32, #tpu.memory_space<hbm>> -> memref<80x128xf32, #tpu.memory_space<hbm>>
      tpu.wait_dma2 semaphore(%arg10 : memref<!tpu.dma_semaphore, #tpu.memory_space<semaphore_mem>>) src(%dma_wait3A_387 : memref<80x128xf32, #tpu.memory_space<hbm>>) dst(%dma_wait3A_384 : memref<80x128xf32, #tpu.memory_space<vmem>>)
      %dma_start3A_388 = arith.constant 80 : i32
      %dma_start3A_389 = arith.constant 0 : i32
      %dma_start3A_390 = tpu.memref_slice %arg7[%dma_start3A_388, %dma_start3A_389] : memref<240x128xf32, #tpu.memory_space<vmem>> -> memref<80x128xf32, #tpu.memory_space<vmem>>
      %dma_start3A_391 = arith.constant 0 : i32
      %dma_start3A_392 = tpu.memref_slice %arg6[%add3A_359, %dma_start3A_391] : memref<125x80xi32, #tpu.memory_space<vmem>> -> memref<1x80xi32, #tpu.memory_space<vmem>>
      %dma_start3A_393 = tpu.memref_squeeze %dma_start3A_392 : memref<1x80xi32, #tpu.memory_space<vmem>> -> memref<80xi32, #tpu.memory_space<vmem>>
      %dma_start3A_394 = arith.constant 0 : i32
      %dma_start3A_395 = arith.constant 0 : i32
      %dma_start3A_396 = tpu.memref_slice %arg8[%dma_start3A_394, %dma_start3A_395] : memref<10000x128xf32, #tpu.memory_space<vmem_shared>> -> memref<10000x128xf32, #tpu.memory_space<vmem_shared>>
      tpu.enqueue_indirect_dma source(%dma_start3A_390 : memref<80x128xf32, #tpu.memory_space<vmem>>) target(%dma_start3A_396 : memref<10000x128xf32, #tpu.memory_space<vmem_shared>>) offsets(%dma_start3A_393 : memref<80xi32, #tpu.memory_space<vmem>>) semaphore(%arg10 : memref<!tpu.dma_semaphore, #tpu.memory_space<semaphore_mem>>) {add = true}
      %mul3A_397 = arith.constant 3 : i32
      %mul3A_398 = arith.muli %scan3A_315, %mul3A_397 : i32
      %add3A_399 = arith.constant 2 : i32
      %add3A_400 = arith.addi %mul3A_398, %add3A_399 : i32
      %ge3A_401 = arith.constant 2 : i32
      %ge3A_402 = arith.cmpi sge, %add3A_400, %ge3A_401 : i32
      %convert_element_type3A_403 = arith.extui %ge3A_402 : i1 to i32
      %cond3A_404 = arith.constant 0 : i32
      %cond3A_405 = arith.cmpi ne, %convert_element_type3A_403, %cond3A_404 : i32
      scf.if %cond3A_405 {
        %dma_wait3A_438 = arith.constant 0 : i32
        %dma_wait3A_439 = arith.constant 0 : i32
        %dma_wait3A_440 = tpu.memref_slice %arg7[%dma_wait3A_438, %dma_wait3A_439] : memref<240x128xf32, #tpu.memory_space<vmem>> -> memref<80x128xf32, #tpu.memory_space<vmem>>
        %dma_wait3A_441 = arith.constant 0 : i32
        %dma_wait3A_442 = arith.constant 0 : i32
        %dma_wait3A_443 = tpu.memref_slice %arg3[%dma_wait3A_441, %dma_wait3A_442] : memref<10000x128xf32, #tpu.memory_space<hbm>> -> memref<80x128xf32, #tpu.memory_space<hbm>>
        %dma_wait3A_444 = arith.constant 0 : i32
        %dma_wait3A_445 = arith.constant 0 : i32
        %dma_wait3A_446 = tpu.memref_slice %arg7[%dma_wait3A_444, %dma_wait3A_445] : memref<240x128xf32, #tpu.memory_space<vmem>> -> memref<80x128xf32, #tpu.memory_space<vmem>>
        %dma_wait3A_447 = arith.constant 0 : i32
        %dma_wait3A_448 = arith.constant 0 : i32
        %dma_wait3A_449 = tpu.memref_slice %arg3[%dma_wait3A_447, %dma_wait3A_448] : memref<10000x128xf32, #tpu.memory_space<hbm>> -> memref<80x128xf32, #tpu.memory_space<hbm>>
        tpu.wait_dma2 semaphore(%arg9 : memref<!tpu.dma_semaphore, #tpu.memory_space<semaphore_mem>>) src(%dma_wait3A_449 : memref<80x128xf32, #tpu.memory_space<hbm>>) dst(%dma_wait3A_446 : memref<80x128xf32, #tpu.memory_space<vmem>>)
      } else {
      }
      %add3A_406 = arith.constant 1 : i32
      %add3A_407 = arith.addi %add3A_400, %add3A_406 : i32
      %dma_start3A_408 = arith.constant 0 : i32
      %dma_start3A_409 = arith.constant 0 : i32
      %dma_start3A_410 = tpu.memref_slice %arg7[%dma_start3A_408, %dma_start3A_409] : memref<240x128xf32, #tpu.memory_space<vmem>> -> memref<80x128xf32, #tpu.memory_space<vmem>>
      %dma_start3A_411 = arith.constant 0 : i32
      %dma_start3A_412 = tpu.memref_slice %arg5[%add3A_407, %dma_start3A_411] : memref<125x80xi32, #tpu.memory_space<vmem>> -> memref<1x80xi32, #tpu.memory_space<vmem>>
      %dma_start3A_413 = tpu.memref_squeeze %dma_start3A_412 : memref<1x80xi32, #tpu.memory_space<vmem>> -> memref<80xi32, #tpu.memory_space<vmem>>
      %dma_start3A_414 = arith.constant 0 : i32
      %dma_start3A_415 = arith.constant 0 : i32
      %dma_start3A_416 = tpu.memref_slice %arg3[%dma_start3A_414, %dma_start3A_415] : memref<10000x128xf32, #tpu.memory_space<hbm>> -> memref<10000x128xf32, #tpu.memory_space<hbm>>
      tpu.enqueue_indirect_dma source(%dma_start3A_416 : memref<10000x128xf32, #tpu.memory_space<hbm>>) target(%dma_start3A_410 : memref<80x128xf32, #tpu.memory_space<vmem>>) offsets(%dma_start3A_413 : memref<80xi32, #tpu.memory_space<vmem>>) semaphore(%arg9 : memref<!tpu.dma_semaphore, #tpu.memory_space<semaphore_mem>>)
      %dma_wait3A_417 = arith.constant 160 : i32
      %dma_wait3A_418 = arith.constant 0 : i32
      %dma_wait3A_419 = tpu.memref_slice %arg7[%dma_wait3A_417, %dma_wait3A_418] : memref<240x128xf32, #tpu.memory_space<vmem>> -> memref<80x128xf32, #tpu.memory_space<vmem>>
      %dma_wait3A_420 = arith.constant 0 : i32
      %dma_wait3A_421 = arith.constant 0 : i32
      %dma_wait3A_422 = tpu.memref_slice %arg3[%dma_wait3A_420, %dma_wait3A_421] : memref<10000x128xf32, #tpu.memory_space<hbm>> -> memref<80x128xf32, #tpu.memory_space<hbm>>
      %dma_wait3A_423 = arith.constant 160 : i32
      %dma_wait3A_424 = arith.constant 0 : i32
      %dma_wait3A_425 = tpu.memref_slice %arg7[%dma_wait3A_423, %dma_wait3A_424] : memref<240x128xf32, #tpu.memory_space<vmem>> -> memref<80x128xf32, #tpu.memory_space<vmem>>
      %dma_wait3A_426 = arith.constant 0 : i32
      %dma_wait3A_427 = arith.constant 0 : i32
      %dma_wait3A_428 = tpu.memref_slice %arg3[%dma_wait3A_426, %dma_wait3A_427] : memref<10000x128xf32, #tpu.memory_space<hbm>> -> memref<80x128xf32, #tpu.memory_space<hbm>>
      tpu.wait_dma2 semaphore(%arg11 : memref<!tpu.dma_semaphore, #tpu.memory_space<semaphore_mem>>) src(%dma_wait3A_428 : memref<80x128xf32, #tpu.memory_space<hbm>>) dst(%dma_wait3A_425 : memref<80x128xf32, #tpu.memory_space<vmem>>)
      %dma_start3A_429 = arith.constant 160 : i32
      %dma_start3A_430 = arith.constant 0 : i32
      %dma_start3A_431 = tpu.memref_slice %arg7[%dma_start3A_429, %dma_start3A_430] : memref<240x128xf32, #tpu.memory_space<vmem>> -> memref<80x128xf32, #tpu.memory_space<vmem>>
      %dma_start3A_432 = arith.constant 0 : i32
      %dma_start3A_433 = tpu.memref_slice %arg6[%add3A_400, %dma_start3A_432] : memref<125x80xi32, #tpu.memory_space<vmem>> -> memref<1x80xi32, #tpu.memory_space<vmem>>
      %dma_start3A_434 = tpu.memref_squeeze %dma_start3A_433 : memref<1x80xi32, #tpu.memory_space<vmem>> -> memref<80xi32, #tpu.memory_space<vmem>>
      %dma_start3A_435 = arith.constant 0 : i32
      %dma_start3A_436 = arith.constant 0 : i32
      %dma_start3A_437 = tpu.memref_slice %arg8[%dma_start3A_435, %dma_start3A_436] : memref<10000x128xf32, #tpu.memory_space<vmem_shared>> -> memref<10000x128xf32, #tpu.memory_space<vmem_shared>>
      tpu.enqueue_indirect_dma source(%dma_start3A_431 : memref<80x128xf32, #tpu.memory_space<vmem>>) target(%dma_start3A_437 : memref<10000x128xf32, #tpu.memory_space<vmem_shared>>) offsets(%dma_start3A_434 : memref<80xi32, #tpu.memory_space<vmem>>) semaphore(%arg11 : memref<!tpu.dma_semaphore, #tpu.memory_space<semaphore_mem>>) {add = true}
    }
    %scan3A_67 = arith.constant 40 : i32
    %dma_wait3A_68 = arith.constant 80 : i32
    %dma_wait3A_69 = arith.constant 0 : i32
    %dma_wait3A_70 = tpu.memref_slice %arg7[%dma_wait3A_68, %dma_wait3A_69] : memref<240x128xf32, #tpu.memory_space<vmem>> -> memref<80x128xf32, #tpu.memory_space<vmem>>
    %dma_wait3A_71 = arith.constant 0 : i32
    %dma_wait3A_72 = arith.constant 0 : i32
    %dma_wait3A_73 = tpu.memref_slice %arg3[%dma_wait3A_71, %dma_wait3A_72] : memref<10000x128xf32, #tpu.memory_space<hbm>> -> memref<80x128xf32, #tpu.memory_space<hbm>>
    %dma_wait3A_74 = arith.constant 80 : i32
    %dma_wait3A_75 = arith.constant 0 : i32
    %dma_wait3A_76 = tpu.memref_slice %arg7[%dma_wait3A_74, %dma_wait3A_75] : memref<240x128xf32, #tpu.memory_space<vmem>> -> memref<80x128xf32, #tpu.memory_space<vmem>>
    %dma_wait3A_77 = arith.constant 0 : i32
    %dma_wait3A_78 = arith.constant 0 : i32
    %dma_wait3A_79 = tpu.memref_slice %arg3[%dma_wait3A_77, %dma_wait3A_78] : memref<10000x128xf32, #tpu.memory_space<hbm>> -> memref<80x128xf32, #tpu.memory_space<hbm>>
    tpu.wait_dma2 semaphore(%arg10 : memref<!tpu.dma_semaphore, #tpu.memory_space<semaphore_mem>>) src(%dma_wait3A_79 : memref<80x128xf32, #tpu.memory_space<hbm>>) dst(%dma_wait3A_76 : memref<80x128xf32, #tpu.memory_space<vmem>>)
    %dma_start3A_80 = arith.constant 121 : i32
    %dma_start3A_81 = arith.constant 80 : i32
    %dma_start3A_82 = arith.constant 0 : i32
    %dma_start3A_83 = tpu.memref_slice %arg7[%dma_start3A_81, %dma_start3A_82] : memref<240x128xf32, #tpu.memory_space<vmem>> -> memref<80x128xf32, #tpu.memory_space<vmem>>
    %dma_start3A_84 = arith.constant 0 : i32
    %dma_start3A_85 = tpu.memref_slice %arg5[%dma_start3A_80, %dma_start3A_84] : memref<125x80xi32, #tpu.memory_space<vmem>> -> memref<1x80xi32, #tpu.memory_space<vmem>>
    %dma_start3A_86 = tpu.memref_squeeze %dma_start3A_85 : memref<1x80xi32, #tpu.memory_space<vmem>> -> memref<80xi32, #tpu.memory_space<vmem>>
    %dma_start3A_87 = arith.constant 0 : i32
    %dma_start3A_88 = arith.constant 0 : i32
    %dma_start3A_89 = tpu.memref_slice %arg3[%dma_start3A_87, %dma_start3A_88] : memref<10000x128xf32, #tpu.memory_space<hbm>> -> memref<10000x128xf32, #tpu.memory_space<hbm>>
    tpu.enqueue_indirect_dma source(%dma_start3A_89 : memref<10000x128xf32, #tpu.memory_space<hbm>>) target(%dma_start3A_83 : memref<80x128xf32, #tpu.memory_space<vmem>>) offsets(%dma_start3A_86 : memref<80xi32, #tpu.memory_space<vmem>>) semaphore(%arg10 : memref<!tpu.dma_semaphore, #tpu.memory_space<semaphore_mem>>)
    %dma_wait3A_90 = arith.constant 0 : i32
    %dma_wait3A_91 = arith.constant 0 : i32
    %dma_wait3A_92 = tpu.memref_slice %arg7[%dma_wait3A_90, %dma_wait3A_91] : memref<240x128xf32, #tpu.memory_space<vmem>> -> memref<80x128xf32, #tpu.memory_space<vmem>>
    %dma_wait3A_93 = arith.constant 0 : i32
    %dma_wait3A_94 = arith.constant 0 : i32
    %dma_wait3A_95 = tpu.memref_slice %arg3[%dma_wait3A_93, %dma_wait3A_94] : memref<10000x128xf32, #tpu.memory_space<hbm>> -> memref<80x128xf32, #tpu.memory_space<hbm>>
    %dma_wait3A_96 = arith.constant 0 : i32
    %dma_wait3A_97 = arith.constant 0 : i32
    %dma_wait3A_98 = tpu.memref_slice %arg7[%dma_wait3A_96, %dma_wait3A_97] : memref<240x128xf32, #tpu.memory_space<vmem>> -> memref<80x128xf32, #tpu.memory_space<vmem>>
    %dma_wait3A_99 = arith.constant 0 : i32
    %dma_wait3A_100 = arith.constant 0 : i32
    %dma_wait3A_101 = tpu.memref_slice %arg3[%dma_wait3A_99, %dma_wait3A_100] : memref<10000x128xf32, #tpu.memory_space<hbm>> -> memref<80x128xf32, #tpu.memory_space<hbm>>
    tpu.wait_dma2 semaphore(%arg9 : memref<!tpu.dma_semaphore, #tpu.memory_space<semaphore_mem>>) src(%dma_wait3A_101 : memref<80x128xf32, #tpu.memory_space<hbm>>) dst(%dma_wait3A_98 : memref<80x128xf32, #tpu.memory_space<vmem>>)
    %dma_start3A_102 = arith.constant 120 : i32
    %dma_start3A_103 = arith.constant 0 : i32
    %dma_start3A_104 = arith.constant 0 : i32
    %dma_start3A_105 = tpu.memref_slice %arg7[%dma_start3A_103, %dma_start3A_104] : memref<240x128xf32, #tpu.memory_space<vmem>> -> memref<80x128xf32, #tpu.memory_space<vmem>>
    %dma_start3A_106 = arith.constant 0 : i32
    %dma_start3A_107 = tpu.memref_slice %arg6[%dma_start3A_102, %dma_start3A_106] : memref<125x80xi32, #tpu.memory_space<vmem>> -> memref<1x80xi32, #tpu.memory_space<vmem>>
    %dma_start3A_108 = tpu.memref_squeeze %dma_start3A_107 : memref<1x80xi32, #tpu.memory_space<vmem>> -> memref<80xi32, #tpu.memory_space<vmem>>
    %dma_start3A_109 = arith.constant 0 : i32
    %dma_start3A_110 = arith.constant 0 : i32
    %dma_start3A_111 = tpu.memref_slice %arg8[%dma_start3A_109, %dma_start3A_110] : memref<10000x128xf32, #tpu.memory_space<vmem_shared>> -> memref<10000x128xf32, #tpu.memory_space<vmem_shared>>
    tpu.enqueue_indirect_dma source(%dma_start3A_105 : memref<80x128xf32, #tpu.memory_space<vmem>>) target(%dma_start3A_111 : memref<10000x128xf32, #tpu.memory_space<vmem_shared>>) offsets(%dma_start3A_108 : memref<80xi32, #tpu.memory_space<vmem>>) semaphore(%arg9 : memref<!tpu.dma_semaphore, #tpu.memory_space<semaphore_mem>>) {add = true}
    %dma_wait3A_112 = arith.constant 160 : i32
    %dma_wait3A_113 = arith.constant 0 : i32
    %dma_wait3A_114 = tpu.memref_slice %arg7[%dma_wait3A_112, %dma_wait3A_113] : memref<240x128xf32, #tpu.memory_space<vmem>> -> memref<80x128xf32, #tpu.memory_space<vmem>>
    %dma_wait3A_115 = arith.constant 0 : i32
    %dma_wait3A_116 = arith.constant 0 : i32
    %dma_wait3A_117 = tpu.memref_slice %arg3[%dma_wait3A_115, %dma_wait3A_116] : memref<10000x128xf32, #tpu.memory_space<hbm>> -> memref<80x128xf32, #tpu.memory_space<hbm>>
    %dma_wait3A_118 = arith.constant 160 : i32
    %dma_wait3A_119 = arith.constant 0 : i32
    %dma_wait3A_120 = tpu.memref_slice %arg7[%dma_wait3A_118, %dma_wait3A_119] : memref<240x128xf32, #tpu.memory_space<vmem>> -> memref<80x128xf32, #tpu.memory_space<vmem>>
    %dma_wait3A_121 = arith.constant 0 : i32
    %dma_wait3A_122 = arith.constant 0 : i32
    %dma_wait3A_123 = tpu.memref_slice %arg3[%dma_wait3A_121, %dma_wait3A_122] : memref<10000x128xf32, #tpu.memory_space<hbm>> -> memref<80x128xf32, #tpu.memory_space<hbm>>
    tpu.wait_dma2 semaphore(%arg11 : memref<!tpu.dma_semaphore, #tpu.memory_space<semaphore_mem>>) src(%dma_wait3A_123 : memref<80x128xf32, #tpu.memory_space<hbm>>) dst(%dma_wait3A_120 : memref<80x128xf32, #tpu.memory_space<vmem>>)
    %dma_start3A_124 = arith.constant 122 : i32
    %dma_start3A_125 = arith.constant 160 : i32
    %dma_start3A_126 = arith.constant 0 : i32
    %dma_start3A_127 = tpu.memref_slice %arg7[%dma_start3A_125, %dma_start3A_126] : memref<240x128xf32, #tpu.memory_space<vmem>> -> memref<80x128xf32, #tpu.memory_space<vmem>>
    %dma_start3A_128 = arith.constant 0 : i32
    %dma_start3A_129 = tpu.memref_slice %arg5[%dma_start3A_124, %dma_start3A_128] : memref<125x80xi32, #tpu.memory_space<vmem>> -> memref<1x80xi32, #tpu.memory_space<vmem>>
    %dma_start3A_130 = tpu.memref_squeeze %dma_start3A_129 : memref<1x80xi32, #tpu.memory_space<vmem>> -> memref<80xi32, #tpu.memory_space<vmem>>
    %dma_start3A_131 = arith.constant 0 : i32
    %dma_start3A_132 = arith.constant 0 : i32
    %dma_start3A_133 = tpu.memref_slice %arg3[%dma_start3A_131, %dma_start3A_132] : memref<10000x128xf32, #tpu.memory_space<hbm>> -> memref<10000x128xf32, #tpu.memory_space<hbm>>
    tpu.enqueue_indirect_dma source(%dma_start3A_133 : memref<10000x128xf32, #tpu.memory_space<hbm>>) target(%dma_start3A_127 : memref<80x128xf32, #tpu.memory_space<vmem>>) offsets(%dma_start3A_130 : memref<80xi32, #tpu.memory_space<vmem>>) semaphore(%arg11 : memref<!tpu.dma_semaphore, #tpu.memory_space<semaphore_mem>>)
    %dma_wait3A_134 = arith.constant 80 : i32
    %dma_wait3A_135 = arith.constant 0 : i32
    %dma_wait3A_136 = tpu.memref_slice %arg7[%dma_wait3A_134, %dma_wait3A_135] : memref<240x128xf32, #tpu.memory_space<vmem>> -> memref<80x128xf32, #tpu.memory_space<vmem>>
    %dma_wait3A_137 = arith.constant 0 : i32
    %dma_wait3A_138 = arith.constant 0 : i32
    %dma_wait3A_139 = tpu.memref_slice %arg3[%dma_wait3A_137, %dma_wait3A_138] : memref<10000x128xf32, #tpu.memory_space<hbm>> -> memref<80x128xf32, #tpu.memory_space<hbm>>
    %dma_wait3A_140 = arith.constant 80 : i32
    %dma_wait3A_141 = arith.constant 0 : i32
    %dma_wait3A_142 = tpu.memref_slice %arg7[%dma_wait3A_140, %dma_wait3A_141] : memref<240x128xf32, #tpu.memory_space<vmem>> -> memref<80x128xf32, #tpu.memory_space<vmem>>
    %dma_wait3A_143 = arith.constant 0 : i32
    %dma_wait3A_144 = arith.constant 0 : i32
    %dma_wait3A_145 = tpu.memref_slice %arg3[%dma_wait3A_143, %dma_wait3A_144] : memref<10000x128xf32, #tpu.memory_space<hbm>> -> memref<80x128xf32, #tpu.memory_space<hbm>>
    tpu.wait_dma2 semaphore(%arg10 : memref<!tpu.dma_semaphore, #tpu.memory_space<semaphore_mem>>) src(%dma_wait3A_145 : memref<80x128xf32, #tpu.memory_space<hbm>>) dst(%dma_wait3A_142 : memref<80x128xf32, #tpu.memory_space<vmem>>)
    %dma_start3A_146 = arith.constant 121 : i32
    %dma_start3A_147 = arith.constant 80 : i32
    %dma_start3A_148 = arith.constant 0 : i32
    %dma_start3A_149 = tpu.memref_slice %arg7[%dma_start3A_147, %dma_start3A_148] : memref<240x128xf32, #tpu.memory_space<vmem>> -> memref<80x128xf32, #tpu.memory_space<vmem>>
    %dma_start3A_150 = arith.constant 0 : i32
    %dma_start3A_151 = tpu.memref_slice %arg6[%dma_start3A_146, %dma_start3A_150] : memref<125x80xi32, #tpu.memory_space<vmem>> -> memref<1x80xi32, #tpu.memory_space<vmem>>
    %dma_start3A_152 = tpu.memref_squeeze %dma_start3A_151 : memref<1x80xi32, #tpu.memory_space<vmem>> -> memref<80xi32, #tpu.memory_space<vmem>>
    %dma_start3A_153 = arith.constant 0 : i32
    %dma_start3A_154 = arith.constant 0 : i32
    %dma_start3A_155 = tpu.memref_slice %arg8[%dma_start3A_153, %dma_start3A_154] : memref<10000x128xf32, #tpu.memory_space<vmem_shared>> -> memref<10000x128xf32, #tpu.memory_space<vmem_shared>>
    tpu.enqueue_indirect_dma source(%dma_start3A_149 : memref<80x128xf32, #tpu.memory_space<vmem>>) target(%dma_start3A_155 : memref<10000x128xf32, #tpu.memory_space<vmem_shared>>) offsets(%dma_start3A_152 : memref<80xi32, #tpu.memory_space<vmem>>) semaphore(%arg10 : memref<!tpu.dma_semaphore, #tpu.memory_space<semaphore_mem>>) {add = true}
    %dma_wait3A_156 = arith.constant 0 : i32
    %dma_wait3A_157 = arith.constant 0 : i32
    %dma_wait3A_158 = tpu.memref_slice %arg7[%dma_wait3A_156, %dma_wait3A_157] : memref<240x128xf32, #tpu.memory_space<vmem>> -> memref<80x128xf32, #tpu.memory_space<vmem>>
    %dma_wait3A_159 = arith.constant 0 : i32
    %dma_wait3A_160 = arith.constant 0 : i32
    %dma_wait3A_161 = tpu.memref_slice %arg3[%dma_wait3A_159, %dma_wait3A_160] : memref<10000x128xf32, #tpu.memory_space<hbm>> -> memref<80x128xf32, #tpu.memory_space<hbm>>
    %dma_wait3A_162 = arith.constant 0 : i32
    %dma_wait3A_163 = arith.constant 0 : i32
    %dma_wait3A_164 = tpu.memref_slice %arg7[%dma_wait3A_162, %dma_wait3A_163] : memref<240x128xf32, #tpu.memory_space<vmem>> -> memref<80x128xf32, #tpu.memory_space<vmem>>
    %dma_wait3A_165 = arith.constant 0 : i32
    %dma_wait3A_166 = arith.constant 0 : i32
    %dma_wait3A_167 = tpu.memref_slice %arg3[%dma_wait3A_165, %dma_wait3A_166] : memref<10000x128xf32, #tpu.memory_space<hbm>> -> memref<80x128xf32, #tpu.memory_space<hbm>>
    tpu.wait_dma2 semaphore(%arg9 : memref<!tpu.dma_semaphore, #tpu.memory_space<semaphore_mem>>) src(%dma_wait3A_167 : memref<80x128xf32, #tpu.memory_space<hbm>>) dst(%dma_wait3A_164 : memref<80x128xf32, #tpu.memory_space<vmem>>)
    %dma_start3A_168 = arith.constant 123 : i32
    %dma_start3A_169 = arith.constant 0 : i32
    %dma_start3A_170 = arith.constant 0 : i32
    %dma_start3A_171 = tpu.memref_slice %arg7[%dma_start3A_169, %dma_start3A_170] : memref<240x128xf32, #tpu.memory_space<vmem>> -> memref<80x128xf32, #tpu.memory_space<vmem>>
    %dma_start3A_172 = arith.constant 0 : i32
    %dma_start3A_173 = tpu.memref_slice %arg5[%dma_start3A_168, %dma_start3A_172] : memref<125x80xi32, #tpu.memory_space<vmem>> -> memref<1x80xi32, #tpu.memory_space<vmem>>
    %dma_start3A_174 = tpu.memref_squeeze %dma_start3A_173 : memref<1x80xi32, #tpu.memory_space<vmem>> -> memref<80xi32, #tpu.memory_space<vmem>>
    %dma_start3A_175 = arith.constant 0 : i32
    %dma_start3A_176 = arith.constant 0 : i32
    %dma_start3A_177 = tpu.memref_slice %arg3[%dma_start3A_175, %dma_start3A_176] : memref<10000x128xf32, #tpu.memory_space<hbm>> -> memref<10000x128xf32, #tpu.memory_space<hbm>>
    tpu.enqueue_indirect_dma source(%dma_start3A_177 : memref<10000x128xf32, #tpu.memory_space<hbm>>) target(%dma_start3A_171 : memref<80x128xf32, #tpu.memory_space<vmem>>) offsets(%dma_start3A_174 : memref<80xi32, #tpu.memory_space<vmem>>) semaphore(%arg9 : memref<!tpu.dma_semaphore, #tpu.memory_space<semaphore_mem>>)
    %dma_wait3A_178 = arith.constant 160 : i32
    %dma_wait3A_179 = arith.constant 0 : i32
    %dma_wait3A_180 = tpu.memref_slice %arg7[%dma_wait3A_178, %dma_wait3A_179] : memref<240x128xf32, #tpu.memory_space<vmem>> -> memref<80x128xf32, #tpu.memory_space<vmem>>
    %dma_wait3A_181 = arith.constant 0 : i32
    %dma_wait3A_182 = arith.constant 0 : i32
    %dma_wait3A_183 = tpu.memref_slice %arg3[%dma_wait3A_181, %dma_wait3A_182] : memref<10000x128xf32, #tpu.memory_space<hbm>> -> memref<80x128xf32, #tpu.memory_space<hbm>>
    %dma_wait3A_184 = arith.constant 160 : i32
    %dma_wait3A_185 = arith.constant 0 : i32
    %dma_wait3A_186 = tpu.memref_slice %arg7[%dma_wait3A_184, %dma_wait3A_185] : memref<240x128xf32, #tpu.memory_space<vmem>> -> memref<80x128xf32, #tpu.memory_space<vmem>>
    %dma_wait3A_187 = arith.constant 0 : i32
    %dma_wait3A_188 = arith.constant 0 : i32
    %dma_wait3A_189 = tpu.memref_slice %arg3[%dma_wait3A_187, %dma_wait3A_188] : memref<10000x128xf32, #tpu.memory_space<hbm>> -> memref<80x128xf32, #tpu.memory_space<hbm>>
    tpu.wait_dma2 semaphore(%arg11 : memref<!tpu.dma_semaphore, #tpu.memory_space<semaphore_mem>>) src(%dma_wait3A_189 : memref<80x128xf32, #tpu.memory_space<hbm>>) dst(%dma_wait3A_186 : memref<80x128xf32, #tpu.memory_space<vmem>>)
    %dma_start3A_190 = arith.constant 122 : i32
    %dma_start3A_191 = arith.constant 160 : i32
    %dma_start3A_192 = arith.constant 0 : i32
    %dma_start3A_193 = tpu.memref_slice %arg7[%dma_start3A_191, %dma_start3A_192] : memref<240x128xf32, #tpu.memory_space<vmem>> -> memref<80x128xf32, #tpu.memory_space<vmem>>
    %dma_start3A_194 = arith.constant 0 : i32
    %dma_start3A_195 = tpu.memref_slice %arg6[%dma_start3A_190, %dma_start3A_194] : memref<125x80xi32, #tpu.memory_space<vmem>> -> memref<1x80xi32, #tpu.memory_space<vmem>>
    %dma_start3A_196 = tpu.memref_squeeze %dma_start3A_195 : memref<1x80xi32, #tpu.memory_space<vmem>> -> memref<80xi32, #tpu.memory_space<vmem>>
    %dma_start3A_197 = arith.constant 0 : i32
    %dma_start3A_198 = arith.constant 0 : i32
    %dma_start3A_199 = tpu.memref_slice %arg8[%dma_start3A_197, %dma_start3A_198] : memref<10000x128xf32, #tpu.memory_space<vmem_shared>> -> memref<10000x128xf32, #tpu.memory_space<vmem_shared>>
    tpu.enqueue_indirect_dma source(%dma_start3A_193 : memref<80x128xf32, #tpu.memory_space<vmem>>) target(%dma_start3A_199 : memref<10000x128xf32, #tpu.memory_space<vmem_shared>>) offsets(%dma_start3A_196 : memref<80xi32, #tpu.memory_space<vmem>>) semaphore(%arg11 : memref<!tpu.dma_semaphore, #tpu.memory_space<semaphore_mem>>) {add = true}
    %dma_wait3A_200 = arith.constant 80 : i32
    %dma_wait3A_201 = arith.constant 0 : i32
    %dma_wait3A_202 = tpu.memref_slice %arg7[%dma_wait3A_200, %dma_wait3A_201] : memref<240x128xf32, #tpu.memory_space<vmem>> -> memref<80x128xf32, #tpu.memory_space<vmem>>
    %dma_wait3A_203 = arith.constant 0 : i32
    %dma_wait3A_204 = arith.constant 0 : i32
    %dma_wait3A_205 = tpu.memref_slice %arg3[%dma_wait3A_203, %dma_wait3A_204] : memref<10000x128xf32, #tpu.memory_space<hbm>> -> memref<80x128xf32, #tpu.memory_space<hbm>>
    %dma_wait3A_206 = arith.constant 80 : i32
    %dma_wait3A_207 = arith.constant 0 : i32
    %dma_wait3A_208 = tpu.memref_slice %arg7[%dma_wait3A_206, %dma_wait3A_207] : memref<240x128xf32, #tpu.memory_space<vmem>> -> memref<80x128xf32, #tpu.memory_space<vmem>>
    %dma_wait3A_209 = arith.constant 0 : i32
    %dma_wait3A_210 = arith.constant 0 : i32
    %dma_wait3A_211 = tpu.memref_slice %arg3[%dma_wait3A_209, %dma_wait3A_210] : memref<10000x128xf32, #tpu.memory_space<hbm>> -> memref<80x128xf32, #tpu.memory_space<hbm>>
    tpu.wait_dma2 semaphore(%arg10 : memref<!tpu.dma_semaphore, #tpu.memory_space<semaphore_mem>>) src(%dma_wait3A_211 : memref<80x128xf32, #tpu.memory_space<hbm>>) dst(%dma_wait3A_208 : memref<80x128xf32, #tpu.memory_space<vmem>>)
    %dma_start3A_212 = arith.constant 124 : i32
    %dma_start3A_213 = arith.constant 80 : i32
    %dma_start3A_214 = arith.constant 0 : i32
    %dma_start3A_215 = tpu.memref_slice %arg7[%dma_start3A_213, %dma_start3A_214] : memref<240x128xf32, #tpu.memory_space<vmem>> -> memref<80x128xf32, #tpu.memory_space<vmem>>
    %dma_start3A_216 = arith.constant 0 : i32
    %dma_start3A_217 = tpu.memref_slice %arg5[%dma_start3A_212, %dma_start3A_216] : memref<125x80xi32, #tpu.memory_space<vmem>> -> memref<1x80xi32, #tpu.memory_space<vmem>>
    %dma_start3A_218 = tpu.memref_squeeze %dma_start3A_217 : memref<1x80xi32, #tpu.memory_space<vmem>> -> memref<80xi32, #tpu.memory_space<vmem>>
    %dma_start3A_219 = arith.constant 0 : i32
    %dma_start3A_220 = arith.constant 0 : i32
    %dma_start3A_221 = tpu.memref_slice %arg3[%dma_start3A_219, %dma_start3A_220] : memref<10000x128xf32, #tpu.memory_space<hbm>> -> memref<10000x128xf32, #tpu.memory_space<hbm>>
    tpu.enqueue_indirect_dma source(%dma_start3A_221 : memref<10000x128xf32, #tpu.memory_space<hbm>>) target(%dma_start3A_215 : memref<80x128xf32, #tpu.memory_space<vmem>>) offsets(%dma_start3A_218 : memref<80xi32, #tpu.memory_space<vmem>>) semaphore(%arg10 : memref<!tpu.dma_semaphore, #tpu.memory_space<semaphore_mem>>)
    %dma_wait3A_222 = arith.constant 0 : i32
    %dma_wait3A_223 = arith.constant 0 : i32
    %dma_wait3A_224 = tpu.memref_slice %arg7[%dma_wait3A_222, %dma_wait3A_223] : memref<240x128xf32, #tpu.memory_space<vmem>> -> memref<80x128xf32, #tpu.memory_space<vmem>>
    %dma_wait3A_225 = arith.constant 0 : i32
    %dma_wait3A_226 = arith.constant 0 : i32
    %dma_wait3A_227 = tpu.memref_slice %arg3[%dma_wait3A_225, %dma_wait3A_226] : memref<10000x128xf32, #tpu.memory_space<hbm>> -> memref<80x128xf32, #tpu.memory_space<hbm>>
    %dma_wait3A_228 = arith.constant 0 : i32
    %dma_wait3A_229 = arith.constant 0 : i32
    %dma_wait3A_230 = tpu.memref_slice %arg7[%dma_wait3A_228, %dma_wait3A_229] : memref<240x128xf32, #tpu.memory_space<vmem>> -> memref<80x128xf32, #tpu.memory_space<vmem>>
    %dma_wait3A_231 = arith.constant 0 : i32
    %dma_wait3A_232 = arith.constant 0 : i32
    %dma_wait3A_233 = tpu.memref_slice %arg3[%dma_wait3A_231, %dma_wait3A_232] : memref<10000x128xf32, #tpu.memory_space<hbm>> -> memref<80x128xf32, #tpu.memory_space<hbm>>
    tpu.wait_dma2 semaphore(%arg9 : memref<!tpu.dma_semaphore, #tpu.memory_space<semaphore_mem>>) src(%dma_wait3A_233 : memref<80x128xf32, #tpu.memory_space<hbm>>) dst(%dma_wait3A_230 : memref<80x128xf32, #tpu.memory_space<vmem>>)
    %dma_start3A_234 = arith.constant 123 : i32
    %dma_start3A_235 = arith.constant 0 : i32
    %dma_start3A_236 = arith.constant 0 : i32
    %dma_start3A_237 = tpu.memref_slice %arg7[%dma_start3A_235, %dma_start3A_236] : memref<240x128xf32, #tpu.memory_space<vmem>> -> memref<80x128xf32, #tpu.memory_space<vmem>>
    %dma_start3A_238 = arith.constant 0 : i32
    %dma_start3A_239 = tpu.memref_slice %arg6[%dma_start3A_234, %dma_start3A_238] : memref<125x80xi32, #tpu.memory_space<vmem>> -> memref<1x80xi32, #tpu.memory_space<vmem>>
    %dma_start3A_240 = tpu.memref_squeeze %dma_start3A_239 : memref<1x80xi32, #tpu.memory_space<vmem>> -> memref<80xi32, #tpu.memory_space<vmem>>
    %dma_start3A_241 = arith.constant 0 : i32
    %dma_start3A_242 = arith.constant 0 : i32
    %dma_start3A_243 = tpu.memref_slice %arg8[%dma_start3A_241, %dma_start3A_242] : memref<10000x128xf32, #tpu.memory_space<vmem_shared>> -> memref<10000x128xf32, #tpu.memory_space<vmem_shared>>
    tpu.enqueue_indirect_dma source(%dma_start3A_237 : memref<80x128xf32, #tpu.memory_space<vmem>>) target(%dma_start3A_243 : memref<10000x128xf32, #tpu.memory_space<vmem_shared>>) offsets(%dma_start3A_240 : memref<80xi32, #tpu.memory_space<vmem>>) semaphore(%arg9 : memref<!tpu.dma_semaphore, #tpu.memory_space<semaphore_mem>>) {add = true}
    %dma_wait3A_244 = arith.constant 160 : i32
    %dma_wait3A_245 = arith.constant 0 : i32
    %dma_wait3A_246 = tpu.memref_slice %arg7[%dma_wait3A_244, %dma_wait3A_245] : memref<240x128xf32, #tpu.memory_space<vmem>> -> memref<80x128xf32, #tpu.memory_space<vmem>>
    %dma_wait3A_247 = arith.constant 0 : i32
    %dma_wait3A_248 = arith.constant 0 : i32
    %dma_wait3A_249 = tpu.memref_slice %arg3[%dma_wait3A_247, %dma_wait3A_248] : memref<10000x128xf32, #tpu.memory_space<hbm>> -> memref<80x128xf32, #tpu.memory_space<hbm>>
    %dma_wait3A_250 = arith.constant 160 : i32
    %dma_wait3A_251 = arith.constant 0 : i32
    %dma_wait3A_252 = tpu.memref_slice %arg7[%dma_wait3A_250, %dma_wait3A_251] : memref<240x128xf32, #tpu.memory_space<vmem>> -> memref<80x128xf32, #tpu.memory_space<vmem>>
    %dma_wait3A_253 = arith.constant 0 : i32
    %dma_wait3A_254 = arith.constant 0 : i32
    %dma_wait3A_255 = tpu.memref_slice %arg3[%dma_wait3A_253, %dma_wait3A_254] : memref<10000x128xf32, #tpu.memory_space<hbm>> -> memref<80x128xf32, #tpu.memory_space<hbm>>
    tpu.wait_dma2 semaphore(%arg11 : memref<!tpu.dma_semaphore, #tpu.memory_space<semaphore_mem>>) src(%dma_wait3A_255 : memref<80x128xf32, #tpu.memory_space<hbm>>) dst(%dma_wait3A_252 : memref<80x128xf32, #tpu.memory_space<vmem>>)
    %dma_wait3A_256 = arith.constant 80 : i32
    %dma_wait3A_257 = arith.constant 0 : i32
    %dma_wait3A_258 = tpu.memref_slice %arg7[%dma_wait3A_256, %dma_wait3A_257] : memref<240x128xf32, #tpu.memory_space<vmem>> -> memref<80x128xf32, #tpu.memory_space<vmem>>
    %dma_wait3A_259 = arith.constant 0 : i32
    %dma_wait3A_260 = arith.constant 0 : i32
    %dma_wait3A_261 = tpu.memref_slice %arg3[%dma_wait3A_259, %dma_wait3A_260] : memref<10000x128xf32, #tpu.memory_space<hbm>> -> memref<80x128xf32, #tpu.memory_space<hbm>>
    %dma_wait3A_262 = arith.constant 80 : i32
    %dma_wait3A_263 = arith.constant 0 : i32
    %dma_wait3A_264 = tpu.memref_slice %arg7[%dma_wait3A_262, %dma_wait3A_263] : memref<240x128xf32, #tpu.memory_space<vmem>> -> memref<80x128xf32, #tpu.memory_space<vmem>>
    %dma_wait3A_265 = arith.constant 0 : i32
    %dma_wait3A_266 = arith.constant 0 : i32
    %dma_wait3A_267 = tpu.memref_slice %arg3[%dma_wait3A_265, %dma_wait3A_266] : memref<10000x128xf32, #tpu.memory_space<hbm>> -> memref<80x128xf32, #tpu.memory_space<hbm>>
    tpu.wait_dma2 semaphore(%arg10 : memref<!tpu.dma_semaphore, #tpu.memory_space<semaphore_mem>>) src(%dma_wait3A_267 : memref<80x128xf32, #tpu.memory_space<hbm>>) dst(%dma_wait3A_264 : memref<80x128xf32, #tpu.memory_space<vmem>>)
    %dma_start3A_268 = arith.constant 124 : i32
    %dma_start3A_269 = arith.constant 80 : i32
    %dma_start3A_270 = arith.constant 0 : i32
    %dma_start3A_271 = tpu.memref_slice %arg7[%dma_start3A_269, %dma_start3A_270] : memref<240x128xf32, #tpu.memory_space<vmem>> -> memref<80x128xf32, #tpu.memory_space<vmem>>
    %dma_start3A_272 = arith.constant 0 : i32
    %dma_start3A_273 = tpu.memref_slice %arg6[%dma_start3A_268, %dma_start3A_272] : memref<125x80xi32, #tpu.memory_space<vmem>> -> memref<1x80xi32, #tpu.memory_space<vmem>>
    %dma_start3A_274 = tpu.memref_squeeze %dma_start3A_273 : memref<1x80xi32, #tpu.memory_space<vmem>> -> memref<80xi32, #tpu.memory_space<vmem>>
    %dma_start3A_275 = arith.constant 0 : i32
    %dma_start3A_276 = arith.constant 0 : i32
    %dma_start3A_277 = tpu.memref_slice %arg8[%dma_start3A_275, %dma_start3A_276] : memref<10000x128xf32, #tpu.memory_space<vmem_shared>> -> memref<10000x128xf32, #tpu.memory_space<vmem_shared>>
    tpu.enqueue_indirect_dma source(%dma_start3A_271 : memref<80x128xf32, #tpu.memory_space<vmem>>) target(%dma_start3A_277 : memref<10000x128xf32, #tpu.memory_space<vmem_shared>>) offsets(%dma_start3A_274 : memref<80xi32, #tpu.memory_space<vmem>>) semaphore(%arg10 : memref<!tpu.dma_semaphore, #tpu.memory_space<semaphore_mem>>) {add = true}
    %dma_wait3A_278 = arith.constant 80 : i32
    %dma_wait3A_279 = arith.constant 0 : i32
    %dma_wait3A_280 = tpu.memref_slice %arg7[%dma_wait3A_278, %dma_wait3A_279] : memref<240x128xf32, #tpu.memory_space<vmem>> -> memref<80x128xf32, #tpu.memory_space<vmem>>
    %dma_wait3A_281 = arith.constant 0 : i32
    %dma_wait3A_282 = arith.constant 0 : i32
    %dma_wait3A_283 = tpu.memref_slice %arg3[%dma_wait3A_281, %dma_wait3A_282] : memref<10000x128xf32, #tpu.memory_space<hbm>> -> memref<80x128xf32, #tpu.memory_space<hbm>>
    %dma_wait3A_284 = arith.constant 80 : i32
    %dma_wait3A_285 = arith.constant 0 : i32
    %dma_wait3A_286 = tpu.memref_slice %arg7[%dma_wait3A_284, %dma_wait3A_285] : memref<240x128xf32, #tpu.memory_space<vmem>> -> memref<80x128xf32, #tpu.memory_space<vmem>>
    %dma_wait3A_287 = arith.constant 0 : i32
    %dma_wait3A_288 = arith.constant 0 : i32
    %dma_wait3A_289 = tpu.memref_slice %arg3[%dma_wait3A_287, %dma_wait3A_288] : memref<10000x128xf32, #tpu.memory_space<hbm>> -> memref<80x128xf32, #tpu.memory_space<hbm>>
    tpu.wait_dma2 semaphore(%arg10 : memref<!tpu.dma_semaphore, #tpu.memory_space<semaphore_mem>>) src(%dma_wait3A_289 : memref<80x128xf32, #tpu.memory_space<hbm>>) dst(%dma_wait3A_286 : memref<80x128xf32, #tpu.memory_space<vmem>>)
    %dma_wait3A_290 = arith.constant 0 : i32
    %dma_wait3A_291 = arith.constant 0 : i32
    %dma_wait3A_292 = tpu.memref_slice %arg7[%dma_wait3A_290, %dma_wait3A_291] : memref<240x128xf32, #tpu.memory_space<vmem>> -> memref<80x128xf32, #tpu.memory_space<vmem>>
    %dma_wait3A_293 = arith.constant 0 : i32
    %dma_wait3A_294 = arith.constant 0 : i32
    %dma_wait3A_295 = tpu.memref_slice %arg3[%dma_wait3A_293, %dma_wait3A_294] : memref<10000x128xf32, #tpu.memory_space<hbm>> -> memref<80x128xf32, #tpu.memory_space<hbm>>
    %dma_wait3A_296 = arith.constant 0 : i32
    %dma_wait3A_297 = arith.constant 0 : i32
    %dma_wait3A_298 = tpu.memref_slice %arg7[%dma_wait3A_296, %dma_wait3A_297] : memref<240x128xf32, #tpu.memory_space<vmem>> -> memref<80x128xf32, #tpu.memory_space<vmem>>
    %dma_wait3A_299 = arith.constant 0 : i32
    %dma_wait3A_300 = arith.constant 0 : i32
    %dma_wait3A_301 = tpu.memref_slice %arg3[%dma_wait3A_299, %dma_wait3A_300] : memref<10000x128xf32, #tpu.memory_space<hbm>> -> memref<80x128xf32, #tpu.memory_space<hbm>>
    tpu.wait_dma2 semaphore(%arg9 : memref<!tpu.dma_semaphore, #tpu.memory_space<semaphore_mem>>) src(%dma_wait3A_301 : memref<80x128xf32, #tpu.memory_space<hbm>>) dst(%dma_wait3A_298 : memref<80x128xf32, #tpu.memory_space<vmem>>)
    %barrier3A_302 = arith.constant 0 : index
    tpu.barrier barrier_id(%barrier3A_302)
    %mul3A_303 = arith.constant 624 : i32
    %mul3A_304 = arith.muli %arg1, %mul3A_303 : i32
    %mul3A_305 = arith.constant 10000 : i32
    %mul3A_306 = arith.muli %arg0, %mul3A_305 : i32
    %mul3A_307 = arith.constant 624 : i32
    %mul3A_308 = arith.muli %arg1, %mul3A_307 : i32
    %add3A_309 = arith.addi %mul3A_306, %mul3A_308 : i32
    "tpu.region"() ({
      %run_scoped3A = tpu.sem_alloc : memref<!tpu.dma_semaphore, #tpu.memory_space<semaphore_mem>>
      %dma_start3A_315 = arith.constant 0 : i32
      %dma_start3A_316 = tpu.memref_slice %arg4[%add3A_309, %dma_start3A_315] : memref<20000x128xf32, #tpu.memory_space<hbm>> -> memref<624x128xf32, #tpu.memory_space<hbm>>
      %dma_start3A_317 = arith.constant 0 : i32
      %dma_start3A_318 = tpu.memref_slice %arg8[%mul3A_304, %dma_start3A_317] : memref<10000x128xf32, #tpu.memory_space<vmem_shared>> -> memref<624x128xf32, #tpu.memory_space<vmem_shared>>
      tpu.enqueue_dma source(%dma_start3A_318 : memref<624x128xf32, #tpu.memory_space<vmem_shared>>) target(%dma_start3A_316 : memref<624x128xf32, #tpu.memory_space<hbm>>) target_semaphore(%run_scoped3A : memref<!tpu.dma_semaphore, #tpu.memory_space<semaphore_mem>>)
      %dma_wait3A_319 = arith.constant 0 : i32
      %dma_wait3A_320 = tpu.memref_slice %arg4[%add3A_309, %dma_wait3A_319] : memref<20000x128xf32, #tpu.memory_space<hbm>> -> memref<624x128xf32, #tpu.memory_space<hbm>>
      %dma_wait3A_321 = arith.constant 0 : i32
      %dma_wait3A_322 = tpu.memref_slice %arg8[%mul3A_304, %dma_wait3A_321] : memref<10000x128xf32, #tpu.memory_space<vmem_shared>> -> memref<624x128xf32, #tpu.memory_space<vmem_shared>>
      tpu.wait_dma2 semaphore(%run_scoped3A : memref<!tpu.dma_semaphore, #tpu.memory_space<semaphore_mem>>) src(%dma_wait3A_322 : memref<624x128xf32, #tpu.memory_space<vmem_shared>>) dst(%dma_wait3A_320 : memref<624x128xf32, #tpu.memory_space<hbm>>)
      tpu.yield
    }) : () -> ()
    %eq3A_310 = arith.constant 0 : i32
    %eq3A_311 = arith.cmpi eq, %arg1, %eq3A_310 : i32
    %convert_element_type3A_312 = arith.extui %eq3A_311 : i1 to i32
    %cond3A_313 = arith.constant 0 : i32
    %cond3A_314 = arith.cmpi ne, %convert_element_type3A_312, %cond3A_313 : i32
    scf.if %cond3A_314 {
      %mul3A_315 = arith.constant 10000 : i32
      %mul3A_316 = arith.muli %arg0, %mul3A_315 : i32
      %add3A_317 = arith.constant 9984 : i32
      %add3A_318 = arith.addi %mul3A_316, %add3A_317 : i32
      "tpu.region"() ({
        %run_scoped3A = tpu.sem_alloc : memref<!tpu.dma_semaphore, #tpu.memory_space<semaphore_mem>>
        %dma_start3A_319 = arith.constant 0 : i32
        %dma_start3A_320 = tpu.memref_slice %arg4[%add3A_318, %dma_start3A_319] : memref<20000x128xf32, #tpu.memory_space<hbm>> -> memref<16x128xf32, #tpu.memory_space<hbm>>
        %dma_start3A_321 = arith.constant 9984 : i32
        %dma_start3A_322 = arith.constant 0 : i32
        %dma_start3A_323 = tpu.memref_slice %arg8[%dma_start3A_321, %dma_start3A_322] : memref<10000x128xf32, #tpu.memory_space<vmem_shared>> -> memref<16x128xf32, #tpu.memory_space<vmem_shared>>
        tpu.enqueue_dma source(%dma_start3A_323 : memref<16x128xf32, #tpu.memory_space<vmem_shared>>) target(%dma_start3A_320 : memref<16x128xf32, #tpu.memory_space<hbm>>) target_semaphore(%run_scoped3A : memref<!tpu.dma_semaphore, #tpu.memory_space<semaphore_mem>>)
        %dma_wait3A_324 = arith.constant 0 : i32
        %dma_wait3A_325 = tpu.memref_slice %arg4[%add3A_318, %dma_wait3A_324] : memref<20000x128xf32, #tpu.memory_space<hbm>> -> memref<16x128xf32, #tpu.memory_space<hbm>>
        %dma_wait3A_326 = arith.constant 9984 : i32
        %dma_wait3A_327 = arith.constant 0 : i32
        %dma_wait3A_328 = tpu.memref_slice %arg8[%dma_wait3A_326, %dma_wait3A_327] : memref<10000x128xf32, #tpu.memory_space<vmem_shared>> -> memref<16x128xf32, #tpu.memory_space<vmem_shared>>
        tpu.wait_dma2 semaphore(%run_scoped3A : memref<!tpu.dma_semaphore, #tpu.memory_space<semaphore_mem>>) src(%dma_wait3A_328 : memref<16x128xf32, #tpu.memory_space<vmem_shared>>) dst(%dma_wait3A_325 : memref<16x128xf32, #tpu.memory_space<hbm>>)
        tpu.yield
      }) : () -> ()
    } else {
    }
    return
  }
}

module attributes {stable_mosaic.version = 14 : i64} {
  func.func @body(%arg0: memref<20000x128xf32, #tpu.memory_space<vmem>>, %arg1: memref<128x128xf32, #tpu.memory_space<vmem>>, %arg2: memref<1x128xf32, #tpu.memory_space<vmem>>, %arg3: memref<1x128xf32, #tpu.memory_space<vmem>>, %arg4: memref<1x128xf32, #tpu.memory_space<vmem>>, %arg5: memref<10000x128xf32, #tpu.memory_space<vmem>>) attributes {dimension_semantics = [], scalar_prefetch = 0 : i64, scratch_operands = 0 : i64, tpu.core_type = #tpu.core_type<tc>} {
    %get3A = arith.constant 0 : index
    %get3A_0 = arith.constant 0 : index
    %get3A_1 = vector.load %arg0[%get3A, %get3A_0] : memref<20000x128xf32, #tpu.memory_space<vmem>>, vector<10000x128xf32>
    %get3A_2 = arith.constant 10000 : index
    %get3A_3 = arith.constant 0 : index
    %get3A_4 = vector.load %arg0[%get3A_2, %get3A_3] : memref<20000x128xf32, #tpu.memory_space<vmem>>, vector<10000x128xf32>
    %add3A = arith.addf %get3A_1, %get3A_4 : vector<10000x128xf32>
    %get3A_5 = arith.constant 0 : index
    %get3A_6 = arith.constant 0 : index
    %get3A_7 = vector.load %arg1[%get3A_5, %get3A_6] : memref<128x128xf32, #tpu.memory_space<vmem>>, vector<128x128xf32>
    %dot_general3A = arith.constant dense<0.000000e+00> : vector<10000x128xf32>
    %dot_general3A_8 = tpu.matmul %add3A, %get3A_7, %dot_general3A {dimension_numbers = #tpu.dot_dimension_numbers<[1], [0], [0], [1], [0, 0, 1, 1], [], []>, transpose_lhs_hint = false} : vector<10000x128xf32>, vector<128x128xf32>, vector<10000x128xf32> -> vector<10000x128xf32>
    %get3A_9 = arith.constant 0 : index
    %get3A_10 = arith.constant 0 : index
    %get3A_11 = vector.load %arg2[%get3A_9, %get3A_10] : memref<1x128xf32, #tpu.memory_space<vmem>>, vector<1x128xf32>
    %add3A_12 = vector.broadcast %get3A_11 : vector<1x128xf32> to vector<10000x128xf32>
    %add3A_13 = arith.addf %dot_general3A_8, %add3A_12 : vector<10000x128xf32>
    %reduce_sum3A = arith.constant dense<0.000000e+00> : vector<128xf32>
    %reduce_sum3A_14 = vector.multi_reduction <add>, %add3A_13, %reduce_sum3A [0] : vector<10000x128xf32> to vector<128xf32>
    %broadcast_in_dim3A = vector.shape_cast %reduce_sum3A_14 : vector<128xf32> to vector<1x128xf32>
    %div3A = arith.constant 1.000000e+04 : f32
    %div3A_15 = vector.broadcast %div3A : f32 to vector<1x128xf32>
    %div3A_16 = arith.divf %broadcast_in_dim3A, %div3A_15 : vector<1x128xf32>
    %sub3A = vector.broadcast %div3A_16 : vector<1x128xf32> to vector<10000x128xf32>
    %sub3A_17 = arith.subf %add3A_13, %sub3A : vector<10000x128xf32>
    %mul3A = arith.mulf %sub3A_17, %sub3A_17 : vector<10000x128xf32>
    %reduce_sum3A_18 = arith.constant dense<0.000000e+00> : vector<128xf32>
    %reduce_sum3A_19 = vector.multi_reduction <add>, %mul3A, %reduce_sum3A_18 [0] : vector<10000x128xf32> to vector<128xf32>
    %broadcast_in_dim3A_20 = vector.shape_cast %reduce_sum3A_19 : vector<128xf32> to vector<1x128xf32>
    %div3A_21 = arith.constant 1.000000e+04 : f32
    %div3A_22 = vector.broadcast %div3A_21 : f32 to vector<1x128xf32>
    %div3A_23 = arith.divf %broadcast_in_dim3A_20, %div3A_22 : vector<1x128xf32>
    %get3A_24 = arith.constant 0 : index
    %get3A_25 = arith.constant 0 : index
    %get3A_26 = vector.load %arg3[%get3A_24, %get3A_25] : memref<1x128xf32, #tpu.memory_space<vmem>>, vector<1x128xf32>
    %mul3A_27 = vector.broadcast %get3A_26 : vector<1x128xf32> to vector<10000x128xf32>
    %mul3A_28 = arith.mulf %mul3A_27, %sub3A_17 : vector<10000x128xf32>
    %add3A_29 = arith.constant 9.99999974E-6 : f32
    %add3A_30 = vector.broadcast %add3A_29 : f32 to vector<1x128xf32>
    %add3A_31 = arith.addf %div3A_23, %add3A_30 : vector<1x128xf32>
    %rsqrt3A = math.rsqrt %add3A_31 : vector<1x128xf32>
    %mul3A_32 = vector.broadcast %rsqrt3A : vector<1x128xf32> to vector<10000x128xf32>
    %mul3A_33 = arith.mulf %mul3A_28, %mul3A_32 : vector<10000x128xf32>
    %get3A_34 = arith.constant 0 : index
    %get3A_35 = arith.constant 0 : index
    %get3A_36 = vector.load %arg4[%get3A_34, %get3A_35] : memref<1x128xf32, #tpu.memory_space<vmem>>, vector<1x128xf32>
    %add3A_37 = vector.broadcast %get3A_36 : vector<1x128xf32> to vector<10000x128xf32>
    %add3A_38 = arith.addf %mul3A_33, %add3A_37 : vector<10000x128xf32>
    %swap3A = arith.constant 0 : index
    %swap3A_39 = arith.constant 0 : index
    %swap3A_40 = vector.load %arg5[%swap3A, %swap3A_39] : memref<10000x128xf32, #tpu.memory_space<vmem>>, vector<10000x128xf32>
    tpu.vector_store %arg5[%swap3A, %swap3A_39], %add3A_38 {strides = array<i32>} : memref<10000x128xf32, #tpu.memory_space<vmem>>, vector<10000x128xf32>,
    return
  }
}

</mosaic_0001>

<sc_bundles>
// kernel: kernel.4.cloned.1.call-start
scs
__scs_entry_jumppad:
0x0: {  	(pc) =	sbr.rel $0x88, $3  }
0x1: {  	(tag) =	ssettag $0x0;
	lr =	simm.s32 $0x1  }
0x2: {  	[smem:$0x3F9B] =	sst lr;
	_ =	strace $0xD0000000  }
0x3: {  	_ = 	snop  }
0x4: {  	_ = 	snop  }
0x5: {  	_ = 	snop  }
0x6: {  	_ = 	snop  }
0x7: {  	_ = 	snop  }
__scs_overlays_trampoline_lowered:
0x8: {  	[smem:$0x3FAA] =	sst s0  }
0x9: {  	[smem:$0x3FAB] =	sst s1  }
0xa: {  	[smem:$0x3FAC] =	sst s2  }
0xb: {  	[smem:$0x3FAD] =	sst s3  }
0xc: {  	[smem:$0x3FAE] =	sst s4  }
0xd: {  	[smem:$0x3FAF] =	sst s5  }
0xe: {  	[smem:$0x3FB0] =	sst s6  }
0xf: {  	[smem:$0x3FB1] =	sst s7  }
0x10: {  	[smem:$0x3FB2] =	sst s8  }
0x11: {  	[smem:$0x3FB3] =	sst s9;
	s0 =	simm.s32 @!p0 $0x0  }
0x12: {  	s1 =	sld [smem:$0x3F99];
	s0 =	simm.s32 @p0 $0x1  }
0x13: {  	[smem:$0x3FB4] =	sst s0;
	s0 =	simm.s32 @!p1 $0x0  }
0x14: {  	s2 =	sld [smem:$0x3F98];
	s0 =	simm.s32 @p1 $0x1  }
0x15: {  	[smem:$0x3FB5] =	sst s0;
	s0 =	simm.s32 @!p2 $0x0  }
0x16: {  	s3 =	sld [smem:$0x3FDB];
	s0 =	simm.s32 @p2 $0x1  }
0x17: {  	s4 =	simm.s32 $0x1BF5;
	[smem:$0x3FB7] =	sst s0  }
0x18: {  	s0 =	sld [smem:$0x3F9A];
	_ =	swait.ge [sflag:s4], $0x0  }
0x19: {  	s7 =	sld [smem:$0x3F9B]  }
0x1a: {  	s8 =	sadd.s32 $0xFFFFE003, lr  }
0x1b: {  	s9 =	sadd.s32 $0xFFFFFEF7, lr;
	s5 =	simm.s32 $0xFFFFFFFF;
	p2 =	slt.u32 s8, $0xFFFFF086  }
0x1c: {  	p1 =	slt.u32 s9, $0xF7A;
	s5 =	simm.s32 @!p2 $0x0  }
0x1d: {  	s5 =	simm.s32 @p1 $0x1;
	p0 =	seq.s32 s7, s2  }
0x1e: {  	s7 =	smul.u32 @!p0 $0xF7A, s2;
	p2 =	seq.s32 @!p0 s5, $0x0  }
0x1f: {  	s9 =	smul.u32 $0xF7A, s1;
	s8 =	simm.s32 @!p0 $0x1BF5;
	p2 =	por !p2, p0  }
0x20: {  	[sflag:s8] =	ssyncset.s32 @!p0 $0xFFFFF086;
	s6 =	sadd.s32 @!p0 s3, s7;
	s7 =	simm.s32 @!p0 $0x108  }
0x21: {  	s3 =	sadd.s32 s3, s9;
	s6 =	sadd.s32 @!p0 $0x88, s6;
	s7 =	simm.s32 @p2 $0x1082  }
0x22: {  	[simem:s7], [sflag:s8] =	dma.local @!p0 [hbm:s6], $0xF7A  }
0x23: {  	s9 =	sor.u32 $0xD0000000, s2;
	s6 =	simm.s32 $0x108;
	_ =	swait.ge @!p0 [sflag:s8], $0x0  }
0x24: {  	s3 =	sadd.s32 $0x88, s3;
	s6 =	simm.s32 @!p1 $0x1082;
	[sflag:s4] =	ssyncset.s32 $0xFFFFF086  }
0x25: {  	[simem:s6], [sflag:s4] =	dma.local [hbm:s3], $0xF7A  }
0x26: {  	[smem:$0x3F9B] =	sst s1;
	(tag) =	ssettag s2;
	_ =	strace s9  }
0x27: {  	s1 =	sld [smem:$0x3FAB]  }
0x28: {  	s2 =	sld [smem:$0x3FAC]  }
0x29: {  	s4 =	sld [smem:$0x3FAE]  }
0x2a: {  	p0 =	seq.s32 s5, $0x0;
	s5 =	sld [smem:$0x3FAF]  }
0x2b: {  	s6 =	sld [smem:$0x3FB0]  }
0x2c: {  	s7 =	sld [smem:$0x3FB1]  }
0x2d: {  	s3 =	simm.s32 $0x108;
	s8 =	sld [smem:$0x3FB2]  }
0x2e: {  	s3 =	simm.s32 @!p0 $0x1082;
	s9 =	sld [smem:$0x3FB3]  }
0x2f: {  	lr =	sadd.s32 s0, s3;
	s0 =	sld [smem:$0x3FAA]  }
0x30: {  	s3 =	sld [smem:$0x3FAD]  }
0x31: {  	[smem:$0x3FB6] =	sst s10  }
0x32: {  	s10 =	sld [smem:$0x3FB4];
	_ =	sdelay $0x3  }
0x33: {  	p0 =	seq.s32 s10, $0x1;
	s10 =	sld [smem:$0x3FB6];
	_ =	sdelay $0x3  }
0x34: {  	[smem:$0x3FB6] =	sst s10  }
0x35: {  	s10 =	sld [smem:$0x3FB5];
	_ =	sdelay $0x3  }
0x36: {  	p1 =	seq.s32 s10, $0x1;
	s10 =	sld [smem:$0x3FB6];
	_ =	sdelay $0x3  }
0x37: {  	[smem:$0x3FB6] =	sst s10  }
0x38: {  	s10 =	sld [smem:$0x3FB7]  }
0x39: {  	_ = 	snop;
	(pc) =	sbr.ind lr, $3  }
0x3a: {  	_ = 	snop  }
0x3b: {  	_ = 	snop  }
0x3c: {  	p2 =	seq.s32 s10, $0x1;
	s10 =	sld [smem:$0x3FB6]  }
0x3d: {  	_ =	shalt  }
0x3e: {  	_ =	shalt  }
0x3f: {  	_ =	shalt  }
0x40: {  	_ =	shalt  }
0x41: {  	_ =	shalt  }
0x42: {  	_ =	shalt  }
0x43: {  	_ =	shalt  }
0x44: {  	_ =	shalt  }
0x45: {  	_ =	shalt  }
0x46: {  	_ =	shalt  }
0x47: {  	_ =	shalt  }
0x48: {  	_ =	shalt  }
0x49: {  	_ =	shalt  }
0x4a: {  	_ =	shalt  }
0x4b: {  	_ =	shalt  }
0x4c: {  	_ =	shalt  }
0x4d: {  	_ =	shalt  }
0x4e: {  	_ =	shalt  }
0x4f: {  	_ =	shalt  }
0x50: {  	_ =	shalt  }
0x51: {  	_ =	shalt  }
0x52: {  	_ =	shalt  }
0x53: {  	_ =	shalt  }
0x54: {  	_ =	shalt  }
0x55: {  	_ =	shalt  }
0x56: {  	_ =	shalt  }
0x57: {  	_ =	shalt  }
0x58: {  	_ =	shalt  }
0x59: {  	_ =	shalt  }
0x5a: {  	_ =	shalt  }
0x5b: {  	_ =	shalt  }
0x5c: {  	_ =	shalt  }
0x5d: {  	_ =	shalt  }
0x5e: {  	_ =	shalt  }
0x5f: {  	_ =	shalt  }
0x60: {  	_ =	shalt  }
0x61: {  	_ =	shalt  }
0x62: {  	_ =	shalt  }
0x63: {  	_ =	shalt  }
0x64: {  	_ =	shalt  }
0x65: {  	_ =	shalt  }
0x66: {  	_ =	shalt  }
0x67: {  	_ =	shalt  }
0x68: {  	_ =	shalt  }
0x69: {  	_ =	shalt  }
0x6a: {  	_ =	shalt  }
0x6b: {  	_ =	shalt  }
0x6c: {  	_ =	shalt  }
0x6d: {  	_ =	shalt  }
0x6e: {  	_ =	shalt  }
0x6f: {  	_ =	shalt  }
0x70: {  	_ =	shalt  }
0x71: {  	_ =	shalt  }
0x72: {  	_ =	shalt  }
0x73: {  	_ =	shalt  }
0x74: {  	_ =	shalt  }
0x75: {  	_ =	shalt  }
0x76: {  	_ =	shalt  }
0x77: {  	_ =	shalt  }
0x78: {  	_ =	shalt  }
0x79: {  	_ =	shalt  }
0x7a: {  	_ =	shalt  }
0x7b: {  	_ =	shalt  }
0x7c: {  	_ =	shalt  }
0x7d: {  	_ =	shalt  }
0x7e: {  	_ =	shalt  }
0x7f: {  	_ =	shalt  }
0x80: {  	_ =	shalt  }
0x81: {  	_ =	shalt  }
0x82: {  	_ =	shalt  }
0x83: {  	_ =	shalt  }
0x84: {  	_ =	shalt  }
0x85: {  	_ =	shalt  }
0x86: {  	_ =	shalt  }
0x87: {  	_ =	shalt  }
.Lfunc_end0:
.L_simem_size_0:
called_computation_lowered:
.L_overlay_start_0:
0x88: {  	s2 =	sld [smem:$0x3FD9]  }
0x89: {  	s3 =	sld [smem:$0x3FFE];
	_ =	sdelay $0x1  }
0x8a: {  	s1 =	srdreg.scid  }
0x8b: {  	s0 =	sand.u32 $0x1, s1  }
0x8c: {  	s17 =	sshll.u32 s0, $0xA;
	s2 =	sadd.s32 s3, s2  }
0x8d: {  	s2 =	sadd.s32 s2, s17  }
0x8e: {  	[smem:$0x3FC2] =	sst s2  }
0x8f: {  	_ = 	snop  }
0x90: {  	s2 =	sld [smem:$0x3FC8]  }
0x91: {  	s18 =	sld [smem:$0x3FD0];
	(tm) =	ssettm $0x1  }
0x92: {  	s4 =	sld [smem:$0x3FFB];
	_ =	sdelay $0x3  }
0x93: {  	_ =	strace s4  }
0x94: {  	s4 =	sld [smem:$0x3FFC];
	_ =	sdelay $0x3  }
0x95: {  	_ =	strace s4  }
0x96: {  	s4 =	sld [smem:$0x3FFD];
	_ =	sdelay $0x3  }
0x97: {  	_ =	strace s4  }
0x98: {  	_ =	strace $0x8FFFFFFF  }
0x99: {  	s19 =	sld [smem:$0x3FDB];
	_ =	sdelay $0x1  }
0x9a: {  	s5 =	simm.s32 $_scs_section_size  }
0x9b: {  	s6 =	simm.s32 $_size__tile_overlayer_lowered;
	s7 =	simm.s32 $_tile_overlayer_lowered  }
0x9c: {  	s22 =	simm.s32 $0x1BFF;
	s21 =	sshll.u32 s7, $0x1;
	s4 =	sadd.s32 s5, s19  }
0x9d: {  	s8 =	simm.s32 $0x0;
	s20 =	sshll.u32 s6, $0x1;
	s6 =	sadd.s32 s21, s4  }
0x9e: {  	[timem:s8], [sflag:s22] =	dma.local [hbm:s6], s20  }
0x9f: {  	_ =	swait.ge [sflag:s22], s20  }
0xa0: {  	s5 =	ssub.s32 $0x0, s20;
	[sflag:s22] =	ssyncset.done $0x0  }
0xa1: {  	[sflag:s22] =	ssyncadd.s32 s5;
	_ =	sdelay $0x1  }
0xa2: {  	s23 =	simm.s32 $0x1B8B  }
0xa3: {  	_ =	swait.ge [sflag:s23], $0x1  }
0xa4: {  	[sflag:s23] =	ssyncset.done $0x0  }
0xa5: {  	s25 =	simm.s32 $0x1B8E;
	s24 =	sld [smem:$0x3FFE];
	[sflag:s23] =	ssyncadd.s32 $0xFFFFFFFF  }
0xa6: {  	s26 =	simm.s32 $execute0_lowered;
	[smem:$0x3FD2] =	sst s25  }
0xa7: {  	s6 =	sshll.u32 s26, $0x1;
	_ =	strace $0x80000046;
	[dreg:$0x1] =	wrdreg $0xFFFFFFFF  }
0xa8: {  	s28 =	simm.s32 $_size_execute0_lowered;
	s4 =	sadd.s32 s4, s6;
	[dreg:$0x0] =	wrdreg $0x0  }
0xa9: {  	s6 =	sshll.u32 s28, $0x1;
	[dreg:$0x2] =	wrdreg s4  }
0xaa: {  	[dreg:$0x3] =	wrdreg s6  }
0xab: {  	[dreg:$0x4] =	wrdreg $0xC0  }
0xac: {  	_ =	task [dreg:s8], $0x5FFFF  }
0xad: {  	[dreg:$0x1] =	wrdreg $0xFFFFFFFF  }
0xae: {  	[dreg:$0x0] =	wrdreg $0x60  }
0xaf: {  	[dreg:$0x2] =	wrdreg s18  }
0xb0: {  	[dreg:$0x3] =	wrdreg s2  }
0xb1: {  	[dreg:$0x4] =	wrdreg s24  }
0xb2: {  	[dreg:$0x5] =	wrdreg $0xC6200  }
0xb3: {  	[dreg:$0x6] =	wrdreg $0x9  }
0xb4: {  	_ =	task.clear_ibuf [dreg:s8], $0x7FFFF;
	_ =	strace $0x90000046  }
0xb5: {  	s29 =	simm.s32 $0x9;
	_ =	strace $0x80000048  }
0xb6: {  	_ =	swait.ge [sflag:s29], $0x1  }
0xb7: {  	[sflag:s29] =	ssyncadd.s32 $0xFFFFFFFF  }
0xb8: {  	_ =	strace $0x90000048  }
0xb9: {  	_ =	sfence  }
0xba: {  	s30 =	sld [smem:$0x0];
	_ =	sdelay $0x2  }
0xbb: {  	s31 =	sshll.u32 s1, $0xD;
	s1 =	sshrl.u32 s1, $0x2  }
0xbc: {  	s3 =	sand.u32 $0x4000, s31;
	s1 =	sadd.s32 s1, s30  }
0xbd: {  	s0 =	sor.u32 s3, s0;
	s1 =	sshll.u32 s1, $0x11  }
0xbe: {  	s0 =	sor.u32 s1, s0  }
0xbf: {  	s0 =	sadd.s32 $0x8F2B, s0  }
0xc0: {  	[sflag:s0] =	ssyncadd.remote.s32 $0x1  }
0xc1: {  	_ =	sfence.sel $0xFFFF  }
0xc2: {  	[dreg:$0x0] =	wrdreg $0xFFFFFFFF;
	(pc) =	sbr.abs _section_cstart, $3  }
0xc3: {  	[dreg:$0x1] =	wrdreg $0xFFFFFFFF  }
0xc4: {  	_ =	task.clear_ibuf [dreg:s8], $0x2FFFF;
	_ =	strace $0x9FFFFFFF  }
0xc5: {  	(tm) =	ssettm $0x7FFFFFFF  }
tec
execute0_lowered:
.L_overlay_start_1:
0x0: {  	(tag) =	ssettag $0x1  }
0x1: {  	s0 =	rddreg [dreg:$0x0]  }
0x2: {  	s1 =	rddreg [dreg:$0x1]  }
0x3: {  	s4 =	rddreg [dreg:$0x2]  }
0x4: {  	s2 =	rddreg [dreg:$0x3]  }
0x5: {  	s3 =	srdreg.scid;
	s15 =	stileid.u32;
	s14 =	simm.s32 $0x2710  }
0x6: {  	s16 =	simm.s32 $0x4;
	s17 =	simm.s32 $0x1;
	s18 =	simm.s32 $0x2  }
0x7: {  	s19 =	simm.s32 $0x50;
	s20 =	simm.s32 $0x7620;
	s22 =	simm.s32 $0x9E20  }
0x8: {  	s25 =	simm.s32 $0x3;
	s31 =	simm.s32 $0x4CE0;
	s21 =	simm.s32 $0x26C0  }
0x9: {  	s23 =	simm.s32 $0x4D80;
	s24 =	simm.s32 $0x4DD0;
	s26 =	simm.s32 $0x0  }
0xa: {  	s8 =	sand.u32 $0x1, s3;
	s3 =	simm.s32 $0x0;
	s9 =	smul.u32 $0x4E000, s15  }
0xb: {  	s4 =	sadd.s32 $0xE00, s4;
	s11 =	smul.u32 $0x2700, s15;
	p0 =	sne.s32 s15, $0x0  }
0xc: {  	s5 =	sshll.u32 s8, $0x4;
	[smem:$0x7FF] =	sst s3;
	s10 =	smul.u32 $0x138800, s8  }
0xd: {  	s6 =	ssub.s32 $0x2, s8;
	s30 =	smul.u32 $0x27100, s8;
	s5 =	sor.u32 s15, s5  }
0xe: {  	_ =	strace $0x80000047;
	s7 =	sshrl.u32 s6, $0x1;
	s29 =	sshrl.u32 s9, $0x2  }
0xf: {  	s15 =	simm.s32 $0x4E20;
	s5 =	smul.u32 $0x2710, s5;
	s13 =	ssub.s32 s6, s7  }
0x10: {  	s7 =	sadd.s32 s29, s2;
	s12 =	sshrl.u32 s10, $0x3;
	s10 =	sadd.s32 $0x138000, s2  }
0x11: {  	s8 =	sadd.s32 $0x7800, s7;
	s9 =	sadd.s32 $0xF000, s7;
	s5 =	sshrl.u32 s5, $0x3  }
0x12: {  	s12 =	sadd.s32 s4, s12;
	s13 =	smax.u32 s13, $0x1;
	s5 =	sadd.s32 s0, s5  }
0x13: {  	s12 =	sadd.s32 $0x27000, s12;
	s0 =	sadd.s32 s11, s30;
	s6 =	sadd.s32 $0x9C40, s5  }
0x14: {  	v0 =	vimm.f32 $0.0e+00;
	s11 =	sadd.s32 s4, s0;
	s0 =	simm.s32 $0x2670;
	s4 =	simm.s32 $0x4D30  }
.LBB2_1:
0x15: {  	[tilespmem:s3], [sflag:$0x1] =	stream.linear.gather [hbm4b:s5+s3], $0x2710, $0x38;
	[tilespmem:$0x1FEA0] =	vst v63  }
0x16: {  	s28 =	simm.s32 $0x0;
	s29 =	simm.s32 $0x200  }
0x17: {  	[tilespmem:s14], [sflag:$0x2] =	stream.linear.gather [hbm4b:s6+s3], $0x2710, $0x38;
	[tilespmem:$0x1FEA0] =	vst v63  }
.LBB2_2:
0x18: {  	p1 =	sne.s32 s29, $0x1DE00;
	[tilespmem:s28+$0x4E90] =	vst v0  }
0x19: {  	[tilespmem:s28+$0x4E20] =	vst v0  }
0x1a: {  	[tilespmem:s28+$0x4E30] =	vst v0  }
.Ltmp0:
0x1b: {  	[tilespmem:s28+$0x4E40] =	vst v0;
	(pc) =	sbr.rel @p1 .LBB2_2-.Ltmp0, $4  }
0x1c: {  	[tilespmem:s28+$0x4E50] =	vst v0  }
0x1d: {  	[tilespmem:s28+$0x4E60] =	vst v0  }
0x1e: {  	[tilespmem:s28+$0x4E70] =	vst v0  }
0x1f: {  	[tilespmem:s28+$0x4E80] =	vst v0;
	s28 =	sshra.s32 s29, $0x2;
	s29 =	sadd.s32 $0x200, s29  }
0x20: {  	[tilespmem:s28+$0x4E90] =	vst v0  }
0x21: {  	[tilespmem:s28+$0x4E20] =	vst v0  }
0x22: {  	[tilespmem:s28+$0x4E30] =	vst v0  }
0x23: {  	[tilespmem:s28+$0x4E40] =	vst v0  }
0x24: {  	[tilespmem:s28+$0x4E50] =	vst v0  }
0x25: {  	[tilespmem:s28+$0x4E60] =	vst v0  }
0x26: {  	[tilespmem:s28+$0x4E70] =	vst v0  }
0x27: {  	[tilespmem:s28+$0x4E80] =	vst v0  }
0x28: {  	[spmem:s7] =	stream.linear.scatter [tilespmem:s15], [sflag:$0x4], $0x7800, $0x38;
	[tilespmem:$0x1FEA0] =	vst v63  }
0x29: {  	_ =	swait.ge [sflag:s16], $0x7800  }
0x2a: {  	[sflag:s16] =	ssyncset.done $0x0  }
0x2b: {  	[sflag:s16] =	ssyncadd.s32 $0xFFFF8800  }
0x2c: {  	[spmem:s8] =	stream.linear.scatter [tilespmem:s15], [sflag:$0x4], $0x7800, $0x38;
	[tilespmem:$0x1FEA0] =	vst v63  }
0x2d: {  	_ =	swait.ge [sflag:s16], $0x7800  }
0x2e: {  	[sflag:s16] =	ssyncset.done $0x0  }
0x2f: {  	[sflag:s16] =	ssyncadd.s32 $0xFFFF8800  }
0x30: {  	[spmem:s9] =	stream.linear.scatter [tilespmem:s15], [sflag:$0x4], $0x4800, $0x38;
	[tilespmem:$0x1FEA0] =	vst v63  }
0x31: {  	_ =	swait.ge [sflag:s16], $0x4800  }
0x32: {  	[sflag:s16] =	ssyncset.done $0x0  }
0x33: {  	s28 =	simm.s32 @!p0 $0x4E20;
	[sflag:s16] =	ssyncadd.s32 $0xFFFFB800  }
0x34: {  	[spmem:s10] =	stream.linear.scatter @!p0 [tilespmem:s28], [sflag:$0x4], $0x800, $0x38;
	[tilespmem:$0x1FEA0] =	vst v63  }
0x35: {  	s28 =	simm.s32 @!p0 $0x4  }
0x36: {  	_ =	swait.ge @!p0 [sflag:s28], $0x800  }
0x37: {  	[sflag:s28] =	ssyncset.done @!p0 $0x0  }
0x38: {  	[sflag:s28] =	ssyncadd.s32 @!p0 $0xFFFFF800  }
0x39: {  	_ =	swait.ge [sflag:s17], $0x2710  }
0x3a: {  	[sflag:s17] =	ssyncset.done $0x0  }
0x3b: {  	[sflag:s17] =	ssyncadd.s32 $0xFFFFD8F0  }
0x3c: {  	_ =	swait.ge [sflag:s18], $0x2710  }
0x3d: {  	[sflag:s18] =	ssyncset.done $0x0  }
0x3e: {  	[sflag:s18] =	ssyncadd.s32 $0xFFFFD8F0  }
0x3f: {  	s28 =	simm.s32 $0x0;
	[bflag:$0x0] =	sbarrier.arrive $0xFFFF  }
0x40: {  	[tilespmem:s15], [sflag:$0x1] =	stream.indirect.gather [hbm4b:s1+s19], $0x80, s28, s19, $0xb8;
	[tilespmem:$0x1FEA0] =	vst v63  }
0x41: {  	_ = 	snop  }
0x42: {  	[tilespmem:s20], [sflag:$0x2] =	stream.indirect.gather [hbm4b:s1+s19], $0x80, s19, s19, $0xb8;
	[tilespmem:$0x1FEA0] =	vst v63  }
0x43: {  	_ =	swait.ge [sflag:s17], $0x2800  }
0x44: {  	[sflag:s17] =	ssyncset.done $0x0  }
0x45: {  	[sflag:s17] =	ssyncadd.s32 $0xFFFFD800  }
0x46: {  	[spmem:s2] =	stream.indirect.scatter.add.f32 [tilespmem:s15], [sflag:$0x1], $0x80, s14, s19, $0xb8;
	[tilespmem:$0x1FEA0] =	vst v63  }
0x47: {  	s28 =	simm.s32 $0xA0  }
0x48: {  	[tilespmem:s22], [sflag:$0x3] =	stream.indirect.gather [hbm4b:s1+s19], $0x80, s28, s19, $0xb8;
	[tilespmem:$0x1FEA0] =	vst v63  }
0x49: {  	_ =	swait.ge [sflag:s18], $0x2800  }
0x4a: {  	[sflag:s18] =	ssyncset.done $0x0  }
0x4b: {  	s28 =	simm.s32 $0x2760;
	[sflag:s18] =	ssyncadd.s32 $0xFFFFD800  }
0x4c: {  	[spmem:s2] =	stream.indirect.scatter.add.f32 [tilespmem:s20], [sflag:$0x2], $0x80, s28, s19, $0xb8;
	[tilespmem:$0x1FEA0] =	vst v63  }
0x4d: {  	_ =	swait.ge [sflag:s17], $0x2800  }
0x4e: {  	[sflag:s17] =	ssyncset.done $0x0  }
0x4f: {  	s28 =	simm.s32 $0xF0;
	[sflag:s17] =	ssyncadd.s32 $0xFFFFD800  }
0x50: {  	[tilespmem:s15], [sflag:$0x1] =	stream.indirect.gather [hbm4b:s1+s19], $0x80, s28, s19, $0xb8;
	[tilespmem:$0x1FEA0] =	vst v63  }
0x51: {  	_ =	swait.ge [sflag:s25], $0x2800  }
0x52: {  	[sflag:s25] =	ssyncset.done $0x0  }
0x53: {  	s28 =	simm.s32 $0x27B0;
	[sflag:s25] =	ssyncadd.s32 $0xFFFFD800  }
0x54: {  	[spmem:s2] =	stream.indirect.scatter.add.f32 [tilespmem:s22], [sflag:$0x3], $0x80, s28, s19, $0xb8;
	[tilespmem:$0x1FEA0] =	vst v63  }
0x55: {  	_ =	swait.ge [sflag:s18], $0x2800  }
0x56: {  	[sflag:s18] =	ssyncset.done $0x0  }
0x57: {  	s28 =	simm.s32 $0x140;
	[sflag:s18] =	ssyncadd.s32 $0xFFFFD800  }
0x58: {  	[tilespmem:s20], [sflag:$0x2] =	stream.indirect.gather [hbm4b:s1+s19], $0x80, s28, s19, $0xb8;
	[tilespmem:$0x1FEA0] =	vst v63  }
0x59: {  	_ =	swait.ge [sflag:s17], $0x2800  }
0x5a: {  	[sflag:s17] =	ssyncset.done $0x0  }
0x5b: {  	s28 =	simm.s32 $0x2800;
	[sflag:s17] =	ssyncadd.s32 $0xFFFFD800  }
0x5c: {  	[spmem:s2] =	stream.indirect.scatter.add.f32 [tilespmem:s15], [sflag:$0x1], $0x80, s28, s19, $0xb8;
	[tilespmem:$0x1FEA0] =	vst v63  }
0x5d: {  	_ =	swait.ge [sflag:s25], $0x2800  }
0x5e: {  	[sflag:s25] =	ssyncset.done $0x0  }
0x5f: {  	s28 =	simm.s32 $0x190;
	[sflag:s25] =	ssyncadd.s32 $0xFFFFD800  }
0x60: {  	[tilespmem:s22], [sflag:$0x3] =	stream.indirect.gather [hbm4b:s1+s19], $0x80, s28, s19, $0xb8;
	[tilespmem:$0x1FEA0] =	vst v63  }
0x61: {  	_ =	swait.ge [sflag:s18], $0x2800  }
0x62: {  	[sflag:s18] =	ssyncset.done $0x0  }
0x63: {  	s28 =	simm.s32 $0x2850;
	[sflag:s18] =	ssyncadd.s32 $0xFFFFD800  }
0x64: {  	[spmem:s2] =	stream.indirect.scatter.add.f32 [tilespmem:s20], [sflag:$0x2], $0x80, s28, s19, $0xb8;
	[tilespmem:$0x1FEA0] =	vst v63  }
0x65: {  	_ =	swait.ge [sflag:s17], $0x2800  }
0x66: {  	[sflag:s17] =	ssyncset.done $0x0  }
0x67: {  	s28 =	simm.s32 $0x1E0;
	[sflag:s17] =	ssyncadd.s32 $0xFFFFD800  }
0x68: {  	[tilespmem:s15], [sflag:$0x1] =	stream.indirect.gather [hbm4b:s1+s19], $0x80, s28, s19, $0xb8;
	[tilespmem:$0x1FEA0] =	vst v63  }
0x69: {  	_ =	swait.ge [sflag:s25], $0x2800  }
0x6a: {  	[sflag:s25] =	ssyncset.done $0x0  }
0x6b: {  	s29 =	simm.s32 $0x28A0;
	s28 =	simm.s32 $0x3C0;
	[sflag:s25] =	ssyncadd.s32 $0xFFFFD800  }
.LBB2_4:
0x6c: {  	[spmem:s2] =	stream.indirect.scatter.add.f32 [tilespmem:s22], [sflag:$0x3], $0x80, s29, s19, $0xb8;
	[tilespmem:$0x1FEA0] =	vst v63  }
0x6d: {  	s29 =	smov.u32 s28  }
0x6e: {  	p1 =	sne.s32 s28, $0x8E80;
	s28 =	sadd.s32 $0x3C0, s28;
	_ =	swait.ge [sflag:s18], $0x2800  }
0x6f: {  	s29 =	sshra.s32 s29, $0x2;
	[sflag:s18] =	ssyncset.done $0x0  }
0x70: {  	s30 =	sadd.s32 $0x140, s29;
	[sflag:s18] =	ssyncadd.s32 $0xFFFFD800  }
0x71: {  	[tilespmem:s20], [sflag:$0x2] =	stream.indirect.gather [hbm4b:s1+s19], $0x80, s30, s19, $0xb8;
	[tilespmem:$0x1FEA0] =	vst v63  }
0x72: {  	_ =	swait.ge [sflag:s17], $0x2800  }
0x73: {  	[sflag:s17] =	ssyncset.done $0x0  }
0x74: {  	s30 =	sadd.s32 $0x2800, s29;
	[sflag:s17] =	ssyncadd.s32 $0xFFFFD800  }
0x75: {  	[spmem:s2] =	stream.indirect.scatter.add.f32 [tilespmem:s15], [sflag:$0x1], $0x80, s30, s19, $0xb8;
	[tilespmem:$0x1FEA0] =	vst v63  }
0x76: {  	_ =	swait.ge [sflag:s25], $0x2800  }
0x77: {  	[sflag:s25] =	ssyncset.done $0x0  }
0x78: {  	s30 =	sadd.s32 $0x190, s29;
	[sflag:s25] =	ssyncadd.s32 $0xFFFFD800  }
0x79: {  	[tilespmem:s22], [sflag:$0x3] =	stream.indirect.gather [hbm4b:s1+s19], $0x80, s30, s19, $0xb8;
	[tilespmem:$0x1FEA0] =	vst v63  }
0x7a: {  	_ =	swait.ge [sflag:s18], $0x2800  }
0x7b: {  	[sflag:s18] =	ssyncset.done $0x0  }
0x7c: {  	s30 =	sadd.s32 $0x2850, s29;
	[sflag:s18] =	ssyncadd.s32 $0xFFFFD800  }
0x7d: {  	[spmem:s2] =	stream.indirect.scatter.add.f32 [tilespmem:s20], [sflag:$0x2], $0x80, s30, s19, $0xb8;
	[tilespmem:$0x1FEA0] =	vst v63  }
0x7e: {  	_ =	swait.ge [sflag:s17], $0x2800  }
0x7f: {  	[sflag:s17] =	ssyncset.done $0x0  }
.Ltmp1:
0x80: {  	s30 =	sadd.s32 $0x1E0, s29;
	[sflag:s17] =	ssyncadd.s32 $0xFFFFD800;
	(pc) =	sbr.rel @p1 .LBB2_4-.Ltmp1, $4  }
0x81: {  	[tilespmem:s15], [sflag:$0x1] =	stream.indirect.gather [hbm4b:s1+s19], $0x80, s30, s19, $0xb8;
	[tilespmem:$0x1FEA0] =	vst v63  }
0x82: {  	_ =	swait.ge [sflag:s25], $0x2800  }
0x83: {  	[sflag:s25] =	ssyncset.done $0x0  }
0x84: {  	s29 =	sadd.s32 $0x28A0, s29;
	[sflag:s25] =	ssyncadd.s32 $0xFFFFD800  }
0x85: {  	[spmem:s2] =	stream.indirect.scatter.add.f32 [tilespmem:s22], [sflag:$0x3], $0x80, s29, s19, $0xb8;
	[tilespmem:$0x1FEA0] =	vst v63  }
0x86: {  	_ =	swait.ge [sflag:s18], $0x2800  }
0x87: {  	[sflag:s18] =	ssyncset.done $0x0  }
0x88: {  	s28 =	simm.s32 $0x25D0;
	[sflag:s18] =	ssyncadd.s32 $0xFFFFD800  }
0x89: {  	[tilespmem:s20], [sflag:$0x2] =	stream.indirect.gather [hbm4b:s1+s19], $0x80, s28, s19, $0xb8;
	[tilespmem:$0x1FEA0] =	vst v63  }
0x8a: {  	_ =	swait.ge [sflag:s17], $0x2800  }
0x8b: {  	[sflag:s17] =	ssyncset.done $0x0  }
0x8c: {  	s29 =	simm.s32 $0x4C90;
	[sflag:s17] =	ssyncadd.s32 $0xFFFFD800  }
0x8d: {  	[spmem:s2] =	stream.indirect.scatter.add.f32 [tilespmem:s15], [sflag:$0x1], $0x80, s29, s19, $0xb8;
	[tilespmem:$0x1FEA0] =	vst v63  }
0x8e: {  	_ =	swait.ge [sflag:s25], $0x2800  }
0x8f: {  	[sflag:s25] =	ssyncset.done $0x0  }
0x90: {  	s30 =	simm.s32 $0x2620;
	[sflag:s25] =	ssyncadd.s32 $0xFFFFD800  }
0x91: {  	[tilespmem:s22], [sflag:$0x3] =	stream.indirect.gather [hbm4b:s1+s19], $0x80, s30, s19, $0xb8;
	[tilespmem:$0x1FEA0] =	vst v63  }
0x92: {  	_ =	swait.ge [sflag:s18], $0x2800  }
0x93: {  	[sflag:s18] =	ssyncset.done $0x0  }
0x94: {  	[sflag:s18] =	ssyncadd.s32 $0xFFFFD800  }
0x95: {  	[spmem:s2] =	stream.indirect.scatter.add.f32 [tilespmem:s20], [sflag:$0x2], $0x80, s31, s19, $0xb8;
	[tilespmem:$0x1FEA0] =	vst v63  }
0x96: {  	_ =	swait.ge [sflag:s17], $0x2800  }
0x97: {  	[sflag:s17] =	ssyncset.done $0x0  }
0x98: {  	[sflag:s17] =	ssyncadd.s32 $0xFFFFD800  }
0x99: {  	[tilespmem:s15], [sflag:$0x1] =	stream.indirect.gather [hbm4b:s1+s19], $0x80, s0, s19, $0xb8;
	[tilespmem:$0x1FEA0] =	vst v63  }
0x9a: {  	_ =	swait.ge [sflag:s25], $0x2800  }
0x9b: {  	[sflag:s25] =	ssyncset.done $0x0  }
0x9c: {  	[sflag:s25] =	ssyncadd.s32 $0xFFFFD800  }
0x9d: {  	[spmem:s2] =	stream.indirect.scatter.add.f32 [tilespmem:s22], [sflag:$0x3], $0x80, s4, s19, $0xb8;
	[tilespmem:$0x1FEA0] =	vst v63  }
0x9e: {  	_ =	swait.ge [sflag:s18], $0x2800  }
0x9f: {  	[sflag:s18] =	ssyncset.done $0x0  }
0xa0: {  	[sflag:s18] =	ssyncadd.s32 $0xFFFFD800  }
0xa1: {  	[tilespmem:s20], [sflag:$0x2] =	stream.indirect.gather [hbm4b:s1+s19], $0x80, s21, s19, $0xb8;
	[tilespmem:$0x1FEA0] =	vst v63  }
0xa2: {  	_ =	swait.ge [sflag:s17], $0x2800  }
0xa3: {  	[sflag:s17] =	ssyncset.done $0x0  }
0xa4: {  	[sflag:s17] =	ssyncadd.s32 $0xFFFFD800  }
0xa5: {  	[spmem:s2] =	stream.indirect.scatter.add.f32 [tilespmem:s15], [sflag:$0x1], $0x80, s23, s19, $0xb8;
	[tilespmem:$0x1FEA0] =	vst v63  }
0xa6: {  	_ =	swait.ge [sflag:s25], $0x2800  }
0xa7: {  	[sflag:s25] =	ssyncset.done $0x0  }
0xa8: {  	[sflag:s25] =	ssyncadd.s32 $0xFFFFD800  }
0xa9: {  	_ =	swait.ge [sflag:s18], $0x2800  }
0xaa: {  	[sflag:s18] =	ssyncset.done $0x0  }
0xab: {  	[sflag:s18] =	ssyncadd.s32 $0xFFFFD800  }
0xac: {  	[spmem:s2] =	stream.indirect.scatter.add.f32 [tilespmem:s20], [sflag:$0x2], $0x80, s24, s19, $0xb8;
	[tilespmem:$0x1FEA0] =	vst v63  }
0xad: {  	_ =	swait.ge [sflag:s18], $0x2800  }
0xae: {  	[sflag:s18] =	ssyncset.done $0x0  }
0xaf: {  	[sflag:s18] =	ssyncadd.s32 $0xFFFFD800  }
0xb0: {  	_ =	swait.ge [sflag:s17], $0x2800  }
0xb1: {  	s29 =	stileid.u32;
	[sflag:s17] =	ssyncset.done $0x0  }
0xb2: {  	s28 =	sshll.u32 s29, $0x6;
	[sflag:s17] =	ssyncadd.s32 $0xFFFFD800  }
0xb3: {  	s28 =	sor.u32 $0x1C04, s28;
	s30 =	sshrl.u32 s7, $0x3;
	[bflag:$0x0] =	sbarrier.arrive $0xFFFF  }
0xb4: {  	[hbm:s11], [sflag:s28] =	dma.local [spmem:s30], $0x2700  }
0xb5: {  	_ =	swait.ge [sflag:s16], $0x2700  }
0xb6: {  	s26 =	sadd.s32 $0x1, s26;
	[sflag:s16] =	ssyncset.done $0x0  }
0xb7: {  	p1 =	sne.s32 s26, s13;
	s29 =	sshrl.u32 @!p0 s10, $0x3;
	[sflag:s16] =	ssyncadd.s32 $0xFFFFD900  }
0xb8: {  	[hbm:s12], [sflag:s28] =	dma.local @!p0 [spmem:s29], $0x100  }
.Ltmp2:
0xb9: {  	_ = 	snop;
	(pc) =	sbr.rel @p1 .LBB2_1-.Ltmp2, $4  }
0xba: {  	s28 =	simm.s32 @!p0 $0x4  }
0xbb: {  	_ =	swait.ge @!p0 [sflag:s28], $0x100  }
0xbc: {  	[sflag:s28] =	ssyncset.done @!p0 $0x0  }
0xbd: {  	[sflag:s28] =	ssyncadd.s32 @!p0 $0xFFFFFF00  }
0xbe: {  	_ =	sfence.sel $0x180000  }
0xbf: {  	[bflag:$0x0] =	sbarrier.arrive $0xFFFF  }
0xc0: {  	_ =	strace $0x90000047  }
0xc1: {  	[bflag:$0x2] =	sbarrier.arrive $0xFFFF  }
0xc2: {  	s0 =	rddreg [dreg:$0x4]  }
0xc3: {  	s0 =	sadd.s32 @!p0 $0x100000, s0  }
0xc4: {  	[sflag:s0] =	ssyncadd.tile.s32 @!p0 $0x1;
	_ =	shalt  }
.Lfunc_end2:
_tile_overlayer_lowered:
.L_overlay_start_2:
0xc5: {  	(tag) =	ssettag $0x2  }
0xc6: {  	s0 =	rddreg [dreg:$0x0];
	s2 =	stileid.u32  }
0xc7: {  	s1 =	rddreg [dreg:$0x1];
	p0 =	sne.s32 s2, $0x0  }
0xc8: {  	s3 =	rddreg [dreg:$0x2];
	[bflag:$0x3] =	sbarrier.arrive $0xFFFF;
	s2 =	simm.s32 @!p0 $0x1C04  }
0xc9: {  	[timem:s3], [sflag:s2] =	dma.local @!p0 [hbm:s0], s1  }
0xca: {  	s0 =	simm.s32 @!p0 $0x4  }
0xcb: {  	_ =	swait.ge @!p0 [sflag:s0], s1  }
0xcc: {  	s1 =	ssub.s32 @!p0 $0x0, s1;
	[sflag:s0] =	ssyncset.done @!p0 $0x0  }
0xcd: {  	[sflag:s0] =	ssyncadd.s32 @!p0 s1  }
0xce: {  	[bflag:$0x3] =	sbarrier.arrive $0xFFFF  }
0xcf: {  	_ =	shalt  }

</sc_bundles>
